<compile_context>
chip_gen: v7x
topology: tpu7x:2x2x1
jax: 0.10.2.dev20260603
libtpu: 0.0.44.dev20260713+nightly
codegen_flags: <defaults>
</compile_context>

<pallas_src>
import functools
import math

import jax
import jax.numpy as jnp
from jax import lax
from jax.experimental import pallas as pl
from jax.experimental.pallas import tpu as pltpu
from jax.experimental.pallas import tpu_sc as plsc

D_MODEL = 128
SEQ = 200
NUM_WORKERS = 32
CHUNK = 80
LANES = 16
NBUF = 5


PE2_ROWS = 240


def _make_pe():
    position = jnp.arange(SEQ, dtype=jnp.float32)[:, None]
    div_term = jnp.exp(
        jnp.arange(0, D_MODEL, 2, dtype=jnp.float32)
        * (-math.log(10000.0) / D_MODEL)
    )
    angles = position * div_term
    pe = jnp.zeros((SEQ, D_MODEL), dtype=jnp.float32)
    pe = pe.at[:, 0::2].set(jnp.sin(angles))
    pe = pe.at[:, 1::2].set(jnp.cos(angles))
    return jnp.concatenate([pe, pe[: PE2_ROWS - SEQ]], axis=0).reshape(-1)


def _sc_embed(tok2d, pe, table, *, n_rows):
    per_w = n_rows // NUM_WORKERS
    n_chunks = per_w // CHUNK
    n_outer = n_chunks // NBUF
    mesh = plsc.VectorSubcoreMesh(core_axis_name="c", subcore_axis_name="s")

    @functools.partial(
        pl.kernel,
        out_type=jax.ShapeDtypeStruct((n_rows, D_MODEL), jnp.float32),
        mesh=mesh,
        scratch_types=[
            pltpu.VMEM((n_chunks, CHUNK), jnp.int32),
            pltpu.VMEM((PE2_ROWS * D_MODEL,), jnp.float32),
            [pltpu.VMEM((CHUNK, D_MODEL), jnp.float32) for _ in range(NBUF)],
            [pltpu.SemaphoreType.DMA for _ in range(NBUF)],
            [pltpu.SemaphoreType.DMA for _ in range(NBUF)],
        ],
    )
    def k(tok_hbm, pe_hbm, table_hbm, out_hbm, idx_all, pe_v, bufs, gsems, ssems):
        nc = lax.axis_size("c")
        wid = lax.axis_index("s") * nc + lax.axis_index("c")
        base0 = wid * per_w

        pltpu.sync_copy(pe_hbm, pe_v)
        pltpu.sync_copy(tok_hbm.at[pl.ds(wid * n_chunks, n_chunks)], idx_all)

        def out_slice(c):
            return out_hbm.at[pl.ds(base0 + c * CHUNK, CHUNK)]

        def gather(c, b):
            return pltpu.make_async_copy(
                table_hbm.at[idx_all.at[c]], bufs[b], gsems[b])

        def scatter(c, b):
            return pltpu.make_async_copy(bufs[b], out_slice(c), ssems[b])

        def add_pe(buf, c):
            off = lax.rem(c * CHUNK, SEQ) * D_MODEL

            @plsc.parallel_loop(0, CHUNK, unroll=4)
            def row_body(r):
                pbase = off + r * D_MODEL
                for d in range(D_MODEL // LANES):
                    v = pe_v[pl.ds(pbase + d * LANES, LANES)]
                    plsc.addupdate(buf.at[r, pl.ds(d * LANES, LANES)], v)

        gather(0, 0).start()
        gather(1, 1).start()
        gather(2, 2).start()

        @pl.loop(0, n_outer)
        def outer(c2):
            for j in range(NBUF):
                c = NBUF * c2 + j
                gather(c, j).wait()
                add_pe(bufs[j], c)
                scatter(c, j).start()

                bp = (j + 3) % NBUF
                if j < 2:
                    @pl.when(c2 >= 1)
                    def _():
                        scatter(c - 2, bp).wait()
                    gather(c + 3, bp).start()
                else:
                    scatter(c - 2, bp).wait()

                    @pl.when(c2 < n_outer - 1)
                    def _():
                        gather(c + 3, bp).start()

        scatter(n_chunks - 2, (n_chunks - 2) % NBUF).wait()
        scatter(n_chunks - 1, (n_chunks - 1) % NBUF).wait()

    return k(tok2d, pe, table)


def kernel(tokens, table):
    b, l = tokens.shape
    n_rows = b * l
    tok2d = tokens.reshape(n_rows // CHUNK, CHUNK)
    pe = _make_pe()
    out = _sc_embed(tok2d, pe, table, n_rows=n_rows)
    return out.reshape(b, l, D_MODEL)

# --- scband reference (transcript-rebuilt; emitter-appended) ---
"""Pipeline reference for scband-sentence-embedding-43654047597067 (READ-ONLY COPY).

The authoritative reference and input builder live on the scoring server;
editing this copy changes nothing except your own understanding.
"""

import math
import jax, jax.numpy as jnp
import numpy as np

VOCAB = 100000
D_MODEL = 128
BATCH = 4096
SEQ_LEN = 200
MAX_SEQ_LEN = 200


def make_positional_encoding(max_len, d_model):
    position = jnp.arange(max_len, dtype=jnp.float32)[:, None]
    div_term = jnp.exp(jnp.arange(0, d_model, 2, dtype=jnp.float32) * (-math.log(10000.0) / d_model))
    angles = position * div_term  # [max_len, d_model//2]
    pe = jnp.zeros((max_len, d_model), dtype=jnp.float32)
    pe = pe.at[:, 0::2].set(jnp.sin(angles))
    pe = pe.at[:, 1::2].set(jnp.cos(angles))
    return pe[None]  # [1, max_len, d_model]


def setup_inputs(seed: int = 0) -> dict:
    key = jax.random.key(seed)
    k1, k2 = jax.random.split(key)
    tokens = jax.random.randint(k1, (BATCH, SEQ_LEN), 0, VOCAB, dtype=jnp.int32)
    # learned embedding table (nn.Embedding weight), default init ~ N(0,1)
    table = jax.random.normal(k2, (VOCAB, D_MODEL), dtype=jnp.float32)
    return {"tokens": tokens, "table": table}


def reference(tokens, table):
    # embedding lookup: gather rows of the table by token id
    emb = jnp.take(table, tokens, axis=0)  # [B, L, D]
    # positional encoding (sinusoidal buffer, added to embeddings)
    pe = make_positional_encoding(MAX_SEQ_LEN, D_MODEL)
    out = emb + pe[:, : tokens.shape[1]]
    # dropout(p=0.1) is identity in eval mode
    return out

if __name__ == "__main__":
    import jax
    _d = setup_inputs()
    print(jax.jit(kernel)(*tuple(_d.values())))

</pallas_src>

<mosaic_0001>
#map = affine_map<(d0, d1) -> (0, 0)>
#map1 = affine_map<(d0, d1) -> (0)>
module attributes {stable_mosaic.version = 14 : i64} {
  func.func @k(%arg0: i32, %arg1: i32, %arg2: memref<10240x80xi32, #tpu.memory_space<hbm>>, %arg3: memref<30720xf32, #tpu.memory_space<hbm>>, %arg4: memref<100000x128xf32, #tpu.memory_space<hbm>>, %arg5: memref<819200x128xf32, #tpu.memory_space<hbm>>, %arg6: memref<320x80xi32, #tpu.memory_space<vmem>>, %arg7: memref<30720xf32, #tpu.memory_space<vmem>>, %arg8: memref<80x128xf32, #tpu.memory_space<vmem>>, %arg9: memref<80x128xf32, #tpu.memory_space<vmem>>, %arg10: memref<80x128xf32, #tpu.memory_space<vmem>>, %arg11: memref<80x128xf32, #tpu.memory_space<vmem>>, %arg12: memref<80x128xf32, #tpu.memory_space<vmem>>, %arg13: memref<!tpu.dma_semaphore, #tpu.memory_space<semaphore_mem>>, %arg14: memref<!tpu.dma_semaphore, #tpu.memory_space<semaphore_mem>>, %arg15: memref<!tpu.dma_semaphore, #tpu.memory_space<semaphore_mem>>, %arg16: memref<!tpu.dma_semaphore, #tpu.memory_space<semaphore_mem>>, %arg17: memref<!tpu.dma_semaphore, #tpu.memory_space<semaphore_mem>>, %arg18: memref<!tpu.dma_semaphore, #tpu.memory_space<semaphore_mem>>, %arg19: memref<!tpu.dma_semaphore, #tpu.memory_space<semaphore_mem>>, %arg20: memref<!tpu.dma_semaphore, #tpu.memory_space<semaphore_mem>>, %arg21: memref<!tpu.dma_semaphore, #tpu.memory_space<semaphore_mem>>, %arg22: memref<!tpu.dma_semaphore, #tpu.memory_space<semaphore_mem>>) attributes {dimension_semantics = [#tpu.dimension_semantics<core_parallel>, #tpu.dimension_semantics<subcore_parallel>], iteration_bounds = array<i64: 2, 16>, scalar_prefetch = 0 : i64, scratch_operands = 17 : i64, tpu.core_type = #tpu.core_type<sc_vector_subcore>, window_params = [{transform_indices = #map}, {transform_indices = #map1}, {transform_indices = #map}, {transform_indices = #map}]} {
    %mul3A = arith.constant 2 : i32
    %mul3A_0 = arith.muli %arg1, %mul3A : i32
    %add3A = arith.addi %mul3A_0, %arg0 : i32
    %mul3A_1 = arith.constant 25600 : i32
    %mul3A_2 = arith.muli %add3A, %mul3A_1 : i32
    "tpu.region"() ({
      %run_scoped3A = tpu.sem_alloc : memref<!tpu.dma_semaphore, #tpu.memory_space<semaphore_mem>>
      tpu.enqueue_dma source(%arg3 : memref<30720xf32, #tpu.memory_space<hbm>>) target(%arg7 : memref<30720xf32, #tpu.memory_space<vmem>>) target_semaphore(%run_scoped3A : memref<!tpu.dma_semaphore, #tpu.memory_space<semaphore_mem>>)
      tpu.wait_dma2 semaphore(%run_scoped3A : memref<!tpu.dma_semaphore, #tpu.memory_space<semaphore_mem>>) src(%arg3 : memref<30720xf32, #tpu.memory_space<hbm>>) dst(%arg7 : memref<30720xf32, #tpu.memory_space<vmem>>)
      tpu.yield
    }) : () -> ()
    %mul3A_3 = arith.constant 320 : i32
    %mul3A_4 = arith.muli %add3A, %mul3A_3 : i32
    "tpu.region"() ({
      %run_scoped3A = tpu.sem_alloc : memref<!tpu.dma_semaphore, #tpu.memory_space<semaphore_mem>>
      %dma_start3A_40 = arith.constant 0 : i32
      %dma_start3A_41 = tpu.memref_slice %arg2[%mul3A_4, %dma_start3A_40] : memref<10240x80xi32, #tpu.memory_space<hbm>> -> memref<320x80xi32, #tpu.memory_space<hbm>>
      %dma_start3A_42 = arith.constant 0 : i32
      %dma_start3A_43 = tpu.memref_slice %arg2[%mul3A_4, %dma_start3A_42] : memref<10240x80xi32, #tpu.memory_space<hbm>> -> memref<320x80xi32, #tpu.memory_space<hbm>>
      tpu.enqueue_dma source(%dma_start3A_43 : memref<320x80xi32, #tpu.memory_space<hbm>>) target(%arg6 : memref<320x80xi32, #tpu.memory_space<vmem>>) target_semaphore(%run_scoped3A : memref<!tpu.dma_semaphore, #tpu.memory_space<semaphore_mem>>)
      %dma_wait3A_44 = arith.constant 0 : i32
      %dma_wait3A_45 = tpu.memref_slice %arg2[%mul3A_4, %dma_wait3A_44] : memref<10240x80xi32, #tpu.memory_space<hbm>> -> memref<320x80xi32, #tpu.memory_space<hbm>>
      %dma_wait3A_46 = arith.constant 0 : i32
      %dma_wait3A_47 = tpu.memref_slice %arg2[%mul3A_4, %dma_wait3A_46] : memref<10240x80xi32, #tpu.memory_space<hbm>> -> memref<320x80xi32, #tpu.memory_space<hbm>>
      tpu.wait_dma2 semaphore(%run_scoped3A : memref<!tpu.dma_semaphore, #tpu.memory_space<semaphore_mem>>) src(%dma_wait3A_47 : memref<320x80xi32, #tpu.memory_space<hbm>>) dst(%arg6 : memref<320x80xi32, #tpu.memory_space<vmem>>)
      tpu.yield
    }) : () -> ()
    %dma_start3A = arith.constant 0 : i32
    %dma_start3A_5 = arith.constant 0 : i32
    %dma_start3A_6 = tpu.memref_slice %arg6[%dma_start3A, %dma_start3A_5] : memref<320x80xi32, #tpu.memory_space<vmem>> -> memref<1x80xi32, #tpu.memory_space<vmem>>
    %dma_start3A_7 = tpu.memref_squeeze %dma_start3A_6 : memref<1x80xi32, #tpu.memory_space<vmem>> -> memref<80xi32, #tpu.memory_space<vmem>>
    %dma_start3A_8 = arith.constant 0 : i32
    %dma_start3A_9 = arith.constant 0 : i32
    %dma_start3A_10 = tpu.memref_slice %arg4[%dma_start3A_8, %dma_start3A_9] : memref<100000x128xf32, #tpu.memory_space<hbm>> -> memref<100000x128xf32, #tpu.memory_space<hbm>>
    tpu.enqueue_indirect_dma source(%dma_start3A_10 : memref<100000x128xf32, #tpu.memory_space<hbm>>) target(%arg8 : memref<80x128xf32, #tpu.memory_space<vmem>>) offsets(%dma_start3A_7 : memref<80xi32, #tpu.memory_space<vmem>>) semaphore(%arg13 : memref<!tpu.dma_semaphore, #tpu.memory_space<semaphore_mem>>)
    %dma_start3A_11 = arith.constant 1 : i32
    %dma_start3A_12 = arith.constant 0 : i32
    %dma_start3A_13 = tpu.memref_slice %arg6[%dma_start3A_11, %dma_start3A_12] : memref<320x80xi32, #tpu.memory_space<vmem>> -> memref<1x80xi32, #tpu.memory_space<vmem>>
    %dma_start3A_14 = tpu.memref_squeeze %dma_start3A_13 : memref<1x80xi32, #tpu.memory_space<vmem>> -> memref<80xi32, #tpu.memory_space<vmem>>
    %dma_start3A_15 = arith.constant 0 : i32
    %dma_start3A_16 = arith.constant 0 : i32
    %dma_start3A_17 = tpu.memref_slice %arg4[%dma_start3A_15, %dma_start3A_16] : memref<100000x128xf32, #tpu.memory_space<hbm>> -> memref<100000x128xf32, #tpu.memory_space<hbm>>
    tpu.enqueue_indirect_dma source(%dma_start3A_17 : memref<100000x128xf32, #tpu.memory_space<hbm>>) target(%arg9 : memref<80x128xf32, #tpu.memory_space<vmem>>) offsets(%dma_start3A_14 : memref<80xi32, #tpu.memory_space<vmem>>) semaphore(%arg14 : memref<!tpu.dma_semaphore, #tpu.memory_space<semaphore_mem>>)
    %dma_start3A_18 = arith.constant 2 : i32
    %dma_start3A_19 = arith.constant 0 : i32
    %dma_start3A_20 = tpu.memref_slice %arg6[%dma_start3A_18, %dma_start3A_19] : memref<320x80xi32, #tpu.memory_space<vmem>> -> memref<1x80xi32, #tpu.memory_space<vmem>>
    %dma_start3A_21 = tpu.memref_squeeze %dma_start3A_20 : memref<1x80xi32, #tpu.memory_space<vmem>> -> memref<80xi32, #tpu.memory_space<vmem>>
    %dma_start3A_22 = arith.constant 0 : i32
    %dma_start3A_23 = arith.constant 0 : i32
    %dma_start3A_24 = tpu.memref_slice %arg4[%dma_start3A_22, %dma_start3A_23] : memref<100000x128xf32, #tpu.memory_space<hbm>> -> memref<100000x128xf32, #tpu.memory_space<hbm>>
    tpu.enqueue_indirect_dma source(%dma_start3A_24 : memref<100000x128xf32, #tpu.memory_space<hbm>>) target(%arg10 : memref<80x128xf32, #tpu.memory_space<vmem>>) offsets(%dma_start3A_21 : memref<80xi32, #tpu.memory_space<vmem>>) semaphore(%arg15 : memref<!tpu.dma_semaphore, #tpu.memory_space<semaphore_mem>>)
    %scan3A = arith.constant 0 : i32
    %scan3A_25 = arith.constant 64 : i32
    %scan3A_26 = arith.addi %scan3A, %scan3A_25 : i32
    %scan3A_27 = arith.constant 1 : i32
    scf.for %scan3A_40 = %scan3A to %scan3A_26 step %scan3A_27  : i32 {
      %mul3A_41 = arith.constant 1 : i32
      %mul3A_42 = arith.muli %scan3A_40, %mul3A_41 : i32
      %add3A_43 = arith.constant 0 : i32
      %add3A_44 = arith.addi %add3A_43, %mul3A_42 : i32
      %mul3A_45 = arith.constant 5 : i32
      %mul3A_46 = arith.muli %mul3A_45, %add3A_44 : i32
      %add3A_47 = arith.constant 0 : i32
      %add3A_48 = arith.addi %mul3A_46, %add3A_47 : i32
      %dma_wait3A_49 = arith.constant 0 : i32
      %dma_wait3A_50 = tpu.memref_slice %arg6[%add3A_48, %dma_wait3A_49] : memref<320x80xi32, #tpu.memory_space<vmem>> -> memref<1x80xi32, #tpu.memory_space<vmem>>
      %dma_wait3A_51 = tpu.memref_squeeze %dma_wait3A_50 : memref<1x80xi32, #tpu.memory_space<vmem>> -> memref<80xi32, #tpu.memory_space<vmem>>
      %dma_wait3A_52 = arith.constant 0 : i32
      %dma_wait3A_53 = arith.constant 0 : i32
      %dma_wait3A_54 = tpu.memref_slice %arg4[%dma_wait3A_52, %dma_wait3A_53] : memref<100000x128xf32, #tpu.memory_space<hbm>> -> memref<100000x128xf32, #tpu.memory_space<hbm>>
      tpu.wait_indirect_dma semaphore(%arg13 : memref<!tpu.dma_semaphore, #tpu.memory_space<semaphore_mem>>) src(%dma_wait3A_54 : memref<100000x128xf32, #tpu.memory_space<hbm>>) dst(%arg8 : memref<80x128xf32, #tpu.memory_space<vmem>>)
      %mul3A_55 = arith.constant 80 : i32
      %mul3A_56 = arith.muli %add3A_48, %mul3A_55 : i32
      %rem3A = arith.constant 200 : i32
      %rem3A_57 = arith.remsi %mul3A_56, %rem3A : i32
      %mul3A_58 = arith.constant 128 : i32
      %mul3A_59 = arith.muli %rem3A_57, %mul3A_58 : i32
      %parallel_loop3A = arith.constant 0 : i32
      %parallel_loop3A_60 = arith.constant 80 : i32
      %parallel_loop3A_61 = arith.constant 1 : i32
      scf.for %parallel_loop3A_236 = %parallel_loop3A to %parallel_loop3A_60 step %parallel_loop3A_61  : i32 {
        %parallel_loop3A_237 = arith.constant 128 : i32
        %parallel_loop3A_238 = arith.muli %parallel_loop3A_236, %parallel_loop3A_237 : i32
        %parallel_loop3A_239 = arith.addi %mul3A_59, %parallel_loop3A_238 : i32
        %parallel_loop3A_240 = arith.constant 0 : i32
        %parallel_loop3A_241 = arith.addi %parallel_loop3A_239, %parallel_loop3A_240 : i32
        %parallel_loop3A_242 = arith.index_cast %parallel_loop3A_241 : i32 to index
        %parallel_loop3A_243 = tpu.vector_load %arg7[%parallel_loop3A_242] {strides = array<i32>} : memref<30720xf32, #tpu.memory_space<vmem>>, vector<16xf32>,
        %parallel_loop3A_244 = vector.shape_cast %parallel_loop3A_243 : vector<16xf32> to vector<16xf32>
        %parallel_loop3A_245 = arith.index_cast %parallel_loop3A_236 : i32 to index
        %parallel_loop3A_246 = arith.constant 0 : index
        %parallel_loop3A_247 = tpu.vector_load %arg8[%parallel_loop3A_245, %parallel_loop3A_246] {strides = array<i32>} : memref<80x128xf32, #tpu.memory_space<vmem>>, vector<1x16xf32>,
        %parallel_loop3A_248 = vector.shape_cast %parallel_loop3A_247 : vector<1x16xf32> to vector<16xf32>
        %parallel_loop3A_249 = vector.shape_cast %parallel_loop3A_244 : vector<16xf32> to vector<1x16xf32>
        tpu.vector_store %arg8[%parallel_loop3A_245, %parallel_loop3A_246], %parallel_loop3A_249 {add = true, strides = array<i32>} : memref<80x128xf32, #tpu.memory_space<vmem>>, vector<1x16xf32>,
        %parallel_loop3A_250 = arith.constant 16 : i32
        %parallel_loop3A_251 = arith.addi %parallel_loop3A_239, %parallel_loop3A_250 : i32
        %parallel_loop3A_252 = arith.index_cast %parallel_loop3A_251 : i32 to index
        %parallel_loop3A_253 = tpu.vector_load %arg7[%parallel_loop3A_252] {strides = array<i32>} : memref<30720xf32, #tpu.memory_space<vmem>>, vector<16xf32>,
        %parallel_loop3A_254 = vector.shape_cast %parallel_loop3A_253 : vector<16xf32> to vector<16xf32>
        %parallel_loop3A_255 = arith.index_cast %parallel_loop3A_236 : i32 to index
        %parallel_loop3A_256 = arith.constant 16 : index
        %parallel_loop3A_257 = tpu.vector_load %arg8[%parallel_loop3A_255, %parallel_loop3A_256] {strides = array<i32>} : memref<80x128xf32, #tpu.memory_space<vmem>>, vector<1x16xf32>,
        %parallel_loop3A_258 = vector.shape_cast %parallel_loop3A_257 : vector<1x16xf32> to vector<16xf32>
        %parallel_loop3A_259 = vector.shape_cast %parallel_loop3A_254 : vector<16xf32> to vector<1x16xf32>
        tpu.vector_store %arg8[%parallel_loop3A_255, %parallel_loop3A_256], %parallel_loop3A_259 {add = true, strides = array<i32>} : memref<80x128xf32, #tpu.memory_space<vmem>>, vector<1x16xf32>,
        %parallel_loop3A_260 = arith.constant 32 : i32
        %parallel_loop3A_261 = arith.addi %parallel_loop3A_239, %parallel_loop3A_260 : i32
        %parallel_loop3A_262 = arith.index_cast %parallel_loop3A_261 : i32 to index
        %parallel_loop3A_263 = tpu.vector_load %arg7[%parallel_loop3A_262] {strides = array<i32>} : memref<30720xf32, #tpu.memory_space<vmem>>, vector<16xf32>,
        %parallel_loop3A_264 = vector.shape_cast %parallel_loop3A_263 : vector<16xf32> to vector<16xf32>
        %parallel_loop3A_265 = arith.index_cast %parallel_loop3A_236 : i32 to index
        %parallel_loop3A_266 = arith.constant 32 : index
        %parallel_loop3A_267 = tpu.vector_load %arg8[%parallel_loop3A_265, %parallel_loop3A_266] {strides = array<i32>} : memref<80x128xf32, #tpu.memory_space<vmem>>, vector<1x16xf32>,
        %parallel_loop3A_268 = vector.shape_cast %parallel_loop3A_267 : vector<1x16xf32> to vector<16xf32>
        %parallel_loop3A_269 = vector.shape_cast %parallel_loop3A_264 : vector<16xf32> to vector<1x16xf32>
        tpu.vector_store %arg8[%parallel_loop3A_265, %parallel_loop3A_266], %parallel_loop3A_269 {add = true, strides = array<i32>} : memref<80x128xf32, #tpu.memory_space<vmem>>, vector<1x16xf32>,
        %parallel_loop3A_270 = arith.constant 48 : i32
        %parallel_loop3A_271 = arith.addi %parallel_loop3A_239, %parallel_loop3A_270 : i32
        %parallel_loop3A_272 = arith.index_cast %parallel_loop3A_271 : i32 to index
        %parallel_loop3A_273 = tpu.vector_load %arg7[%parallel_loop3A_272] {strides = array<i32>} : memref<30720xf32, #tpu.memory_space<vmem>>, vector<16xf32>,
        %parallel_loop3A_274 = vector.shape_cast %parallel_loop3A_273 : vector<16xf32> to vector<16xf32>
        %parallel_loop3A_275 = arith.index_cast %parallel_loop3A_236 : i32 to index
        %parallel_loop3A_276 = arith.constant 48 : index
        %parallel_loop3A_277 = tpu.vector_load %arg8[%parallel_loop3A_275, %parallel_loop3A_276] {strides = array<i32>} : memref<80x128xf32, #tpu.memory_space<vmem>>, vector<1x16xf32>,
        %parallel_loop3A_278 = vector.shape_cast %parallel_loop3A_277 : vector<1x16xf32> to vector<16xf32>
        %parallel_loop3A_279 = vector.shape_cast %parallel_loop3A_274 : vector<16xf32> to vector<1x16xf32>
        tpu.vector_store %arg8[%parallel_loop3A_275, %parallel_loop3A_276], %parallel_loop3A_279 {add = true, strides = array<i32>} : memref<80x128xf32, #tpu.memory_space<vmem>>, vector<1x16xf32>,
        %parallel_loop3A_280 = arith.constant 64 : i32
        %parallel_loop3A_281 = arith.addi %parallel_loop3A_239, %parallel_loop3A_280 : i32
        %parallel_loop3A_282 = arith.index_cast %parallel_loop3A_281 : i32 to index
        %parallel_loop3A_283 = tpu.vector_load %arg7[%parallel_loop3A_282] {strides = array<i32>} : memref<30720xf32, #tpu.memory_space<vmem>>, vector<16xf32>,
        %parallel_loop3A_284 = vector.shape_cast %parallel_loop3A_283 : vector<16xf32> to vector<16xf32>
        %parallel_loop3A_285 = arith.index_cast %parallel_loop3A_236 : i32 to index
        %parallel_loop3A_286 = arith.constant 64 : index
        %parallel_loop3A_287 = tpu.vector_load %arg8[%parallel_loop3A_285, %parallel_loop3A_286] {strides = array<i32>} : memref<80x128xf32, #tpu.memory_space<vmem>>, vector<1x16xf32>,
        %parallel_loop3A_288 = vector.shape_cast %parallel_loop3A_287 : vector<1x16xf32> to vector<16xf32>
        %parallel_loop3A_289 = vector.shape_cast %parallel_loop3A_284 : vector<16xf32> to vector<1x16xf32>
        tpu.vector_store %arg8[%parallel_loop3A_285, %parallel_loop3A_286], %parallel_loop3A_289 {add = true, strides = array<i32>} : memref<80x128xf32, #tpu.memory_space<vmem>>, vector<1x16xf32>,
        %parallel_loop3A_290 = arith.constant 80 : i32
        %parallel_loop3A_291 = arith.addi %parallel_loop3A_239, %parallel_loop3A_290 : i32
        %parallel_loop3A_292 = arith.index_cast %parallel_loop3A_291 : i32 to index
        %parallel_loop3A_293 = tpu.vector_load %arg7[%parallel_loop3A_292] {strides = array<i32>} : memref<30720xf32, #tpu.memory_space<vmem>>, vector<16xf32>,
        %parallel_loop3A_294 = vector.shape_cast %parallel_loop3A_293 : vector<16xf32> to vector<16xf32>
        %parallel_loop3A_295 = arith.index_cast %parallel_loop3A_236 : i32 to index
        %parallel_loop3A_296 = arith.constant 80 : index
        %parallel_loop3A_297 = tpu.vector_load %arg8[%parallel_loop3A_295, %parallel_loop3A_296] {strides = array<i32>} : memref<80x128xf32, #tpu.memory_space<vmem>>, vector<1x16xf32>,
        %parallel_loop3A_298 = vector.shape_cast %parallel_loop3A_297 : vector<1x16xf32> to vector<16xf32>
        %parallel_loop3A_299 = vector.shape_cast %parallel_loop3A_294 : vector<16xf32> to vector<1x16xf32>
        tpu.vector_store %arg8[%parallel_loop3A_295, %parallel_loop3A_296], %parallel_loop3A_299 {add = true, strides = array<i32>} : memref<80x128xf32, #tpu.memory_space<vmem>>, vector<1x16xf32>,
        %parallel_loop3A_300 = arith.constant 96 : i32
        %parallel_loop3A_301 = arith.addi %parallel_loop3A_239, %parallel_loop3A_300 : i32
        %parallel_loop3A_302 = arith.index_cast %parallel_loop3A_301 : i32 to index
        %parallel_loop3A_303 = tpu.vector_load %arg7[%parallel_loop3A_302] {strides = array<i32>} : memref<30720xf32, #tpu.memory_space<vmem>>, vector<16xf32>,
        %parallel_loop3A_304 = vector.shape_cast %parallel_loop3A_303 : vector<16xf32> to vector<16xf32>
        %parallel_loop3A_305 = arith.index_cast %parallel_loop3A_236 : i32 to index
        %parallel_loop3A_306 = arith.constant 96 : index
        %parallel_loop3A_307 = tpu.vector_load %arg8[%parallel_loop3A_305, %parallel_loop3A_306] {strides = array<i32>} : memref<80x128xf32, #tpu.memory_space<vmem>>, vector<1x16xf32>,
        %parallel_loop3A_308 = vector.shape_cast %parallel_loop3A_307 : vector<1x16xf32> to vector<16xf32>
        %parallel_loop3A_309 = vector.shape_cast %parallel_loop3A_304 : vector<16xf32> to vector<1x16xf32>
        tpu.vector_store %arg8[%parallel_loop3A_305, %parallel_loop3A_306], %parallel_loop3A_309 {add = true, strides = array<i32>} : memref<80x128xf32, #tpu.memory_space<vmem>>, vector<1x16xf32>,
        %parallel_loop3A_310 = arith.constant 112 : i32
        %parallel_loop3A_311 = arith.addi %parallel_loop3A_239, %parallel_loop3A_310 : i32
        %parallel_loop3A_312 = arith.index_cast %parallel_loop3A_311 : i32 to index
        %parallel_loop3A_313 = tpu.vector_load %arg7[%parallel_loop3A_312] {strides = array<i32>} : memref<30720xf32, #tpu.memory_space<vmem>>, vector<16xf32>,
        %parallel_loop3A_314 = vector.shape_cast %parallel_loop3A_313 : vector<16xf32> to vector<16xf32>
        %parallel_loop3A_315 = arith.index_cast %parallel_loop3A_236 : i32 to index
        %parallel_loop3A_316 = arith.constant 112 : index
        %parallel_loop3A_317 = tpu.vector_load %arg8[%parallel_loop3A_315, %parallel_loop3A_316] {strides = array<i32>} : memref<80x128xf32, #tpu.memory_space<vmem>>, vector<1x16xf32>,
        %parallel_loop3A_318 = vector.shape_cast %parallel_loop3A_317 : vector<1x16xf32> to vector<16xf32>
        %parallel_loop3A_319 = vector.shape_cast %parallel_loop3A_314 : vector<16xf32> to vector<1x16xf32>
        tpu.vector_store %arg8[%parallel_loop3A_315, %parallel_loop3A_316], %parallel_loop3A_319 {add = true, strides = array<i32>} : memref<80x128xf32, #tpu.memory_space<vmem>>, vector<1x16xf32>,
      } {sc.loop_unroll_factor = 4 : i64, sc.parallel_access}
      %mul3A_62 = arith.constant 80 : i32
      %mul3A_63 = arith.muli %add3A_48, %mul3A_62 : i32
      %add3A_64 = arith.addi %mul3A_2, %mul3A_63 : i32
      %dma_start3A_65 = arith.constant 0 : i32
      %dma_start3A_66 = tpu.memref_slice %arg5[%add3A_64, %dma_start3A_65] : memref<819200x128xf32, #tpu.memory_space<hbm>> -> memref<80x128xf32, #tpu.memory_space<hbm>>
      %dma_start3A_67 = arith.constant 0 : i32
      %dma_start3A_68 = tpu.memref_slice %arg5[%add3A_64, %dma_start3A_67] : memref<819200x128xf32, #tpu.memory_space<hbm>> -> memref<80x128xf32, #tpu.memory_space<hbm>>
      tpu.enqueue_dma source(%arg8 : memref<80x128xf32, #tpu.memory_space<vmem>>) target(%dma_start3A_68 : memref<80x128xf32, #tpu.memory_space<hbm>>) target_semaphore(%arg18 : memref<!tpu.dma_semaphore, #tpu.memory_space<semaphore_mem>>)
      %ge3A = arith.constant 1 : i32
      %ge3A_69 = arith.cmpi sge, %add3A_44, %ge3A : i32
      %convert_element_type3A = arith.extui %ge3A_69 : i1 to i32
      %cond3A = arith.constant 0 : i32
      %cond3A_70 = arith.cmpi ne, %convert_element_type3A, %cond3A : i32
      scf.if %cond3A_70 {
        %sub3A_236 = arith.constant 2 : i32
        %sub3A_237 = arith.subi %add3A_48, %sub3A_236 : i32
        %mul3A_238 = arith.constant 80 : i32
        %mul3A_239 = arith.muli %sub3A_237, %mul3A_238 : i32
        %add3A_240 = arith.addi %mul3A_2, %mul3A_239 : i32
        %dma_wait3A_241 = arith.constant 0 : i32
        %dma_wait3A_242 = tpu.memref_slice %arg5[%add3A_240, %dma_wait3A_241] : memref<819200x128xf32, #tpu.memory_space<hbm>> -> memref<80x128xf32, #tpu.memory_space<hbm>>
        %dma_wait3A_243 = arith.constant 0 : i32
        %dma_wait3A_244 = tpu.memref_slice %arg5[%add3A_240, %dma_wait3A_243] : memref<819200x128xf32, #tpu.memory_space<hbm>> -> memref<80x128xf32, #tpu.memory_space<hbm>>
        tpu.wait_dma2 semaphore(%arg21 : memref<!tpu.dma_semaphore, #tpu.memory_space<semaphore_mem>>) src(%arg11 : memref<80x128xf32, #tpu.memory_space<vmem>>) dst(%dma_wait3A_244 : memref<80x128xf32, #tpu.memory_space<hbm>>)
      } else {
      }
      %add3A_71 = arith.constant 3 : i32
      %add3A_72 = arith.addi %add3A_48, %add3A_71 : i32
      %dma_start3A_73 = arith.constant 0 : i32
      %dma_start3A_74 = tpu.memref_slice %arg6[%add3A_72, %dma_start3A_73] : memref<320x80xi32, #tpu.memory_space<vmem>> -> memref<1x80xi32, #tpu.memory_space<vmem>>
      %dma_start3A_75 = tpu.memref_squeeze %dma_start3A_74 : memref<1x80xi32, #tpu.memory_space<vmem>> -> memref<80xi32, #tpu.memory_space<vmem>>
      %dma_start3A_76 = arith.constant 0 : i32
      %dma_start3A_77 = arith.constant 0 : i32
      %dma_start3A_78 = tpu.memref_slice %arg4[%dma_start3A_76, %dma_start3A_77] : memref<100000x128xf32, #tpu.memory_space<hbm>> -> memref<100000x128xf32, #tpu.memory_space<hbm>>
      tpu.enqueue_indirect_dma source(%dma_start3A_78 : memref<100000x128xf32, #tpu.memory_space<hbm>>) target(%arg11 : memref<80x128xf32, #tpu.memory_space<vmem>>) offsets(%dma_start3A_75 : memref<80xi32, #tpu.memory_space<vmem>>) semaphore(%arg16 : memref<!tpu.dma_semaphore, #tpu.memory_space<semaphore_mem>>)
      %mul3A_79 = arith.constant 5 : i32
      %mul3A_80 = arith.muli %mul3A_79, %add3A_44 : i32
      %add3A_81 = arith.constant 1 : i32
      %add3A_82 = arith.addi %mul3A_80, %add3A_81 : i32
      %dma_wait3A_83 = arith.constant 0 : i32
      %dma_wait3A_84 = tpu.memref_slice %arg6[%add3A_82, %dma_wait3A_83] : memref<320x80xi32, #tpu.memory_space<vmem>> -> memref<1x80xi32, #tpu.memory_space<vmem>>
      %dma_wait3A_85 = tpu.memref_squeeze %dma_wait3A_84 : memref<1x80xi32, #tpu.memory_space<vmem>> -> memref<80xi32, #tpu.memory_space<vmem>>
      %dma_wait3A_86 = arith.constant 0 : i32
      %dma_wait3A_87 = arith.constant 0 : i32
      %dma_wait3A_88 = tpu.memref_slice %arg4[%dma_wait3A_86, %dma_wait3A_87] : memref<100000x128xf32, #tpu.memory_space<hbm>> -> memref<100000x128xf32, #tpu.memory_space<hbm>>
      tpu.wait_indirect_dma semaphore(%arg14 : memref<!tpu.dma_semaphore, #tpu.memory_space<semaphore_mem>>) src(%dma_wait3A_88 : memref<100000x128xf32, #tpu.memory_space<hbm>>) dst(%arg9 : memref<80x128xf32, #tpu.memory_space<vmem>>)
      %mul3A_89 = arith.constant 80 : i32
      %mul3A_90 = arith.muli %add3A_82, %mul3A_89 : i32
      %rem3A_91 = arith.constant 200 : i32
      %rem3A_92 = arith.remsi %mul3A_90, %rem3A_91 : i32
      %mul3A_93 = arith.constant 128 : i32
      %mul3A_94 = arith.muli %rem3A_92, %mul3A_93 : i32
      %parallel_loop3A_95 = arith.constant 0 : i32
      %parallel_loop3A_96 = arith.constant 80 : i32
      %parallel_loop3A_97 = arith.constant 1 : i32
      scf.for %parallel_loop3A_236 = %parallel_loop3A_95 to %parallel_loop3A_96 step %parallel_loop3A_97  : i32 {
        %parallel_loop3A_237 = arith.constant 128 : i32
        %parallel_loop3A_238 = arith.muli %parallel_loop3A_236, %parallel_loop3A_237 : i32
        %parallel_loop3A_239 = arith.addi %mul3A_94, %parallel_loop3A_238 : i32
        %parallel_loop3A_240 = arith.constant 0 : i32
        %parallel_loop3A_241 = arith.addi %parallel_loop3A_239, %parallel_loop3A_240 : i32
        %parallel_loop3A_242 = arith.index_cast %parallel_loop3A_241 : i32 to index
        %parallel_loop3A_243 = tpu.vector_load %arg7[%parallel_loop3A_242] {strides = array<i32>} : memref<30720xf32, #tpu.memory_space<vmem>>, vector<16xf32>,
        %parallel_loop3A_244 = vector.shape_cast %parallel_loop3A_243 : vector<16xf32> to vector<16xf32>
        %parallel_loop3A_245 = arith.index_cast %parallel_loop3A_236 : i32 to index
        %parallel_loop3A_246 = arith.constant 0 : index
        %parallel_loop3A_247 = tpu.vector_load %arg9[%parallel_loop3A_245, %parallel_loop3A_246] {strides = array<i32>} : memref<80x128xf32, #tpu.memory_space<vmem>>, vector<1x16xf32>,
        %parallel_loop3A_248 = vector.shape_cast %parallel_loop3A_247 : vector<1x16xf32> to vector<16xf32>
        %parallel_loop3A_249 = vector.shape_cast %parallel_loop3A_244 : vector<16xf32> to vector<1x16xf32>
        tpu.vector_store %arg9[%parallel_loop3A_245, %parallel_loop3A_246], %parallel_loop3A_249 {add = true, strides = array<i32>} : memref<80x128xf32, #tpu.memory_space<vmem>>, vector<1x16xf32>,
        %parallel_loop3A_250 = arith.constant 16 : i32
        %parallel_loop3A_251 = arith.addi %parallel_loop3A_239, %parallel_loop3A_250 : i32
        %parallel_loop3A_252 = arith.index_cast %parallel_loop3A_251 : i32 to index
        %parallel_loop3A_253 = tpu.vector_load %arg7[%parallel_loop3A_252] {strides = array<i32>} : memref<30720xf32, #tpu.memory_space<vmem>>, vector<16xf32>,
        %parallel_loop3A_254 = vector.shape_cast %parallel_loop3A_253 : vector<16xf32> to vector<16xf32>
        %parallel_loop3A_255 = arith.index_cast %parallel_loop3A_236 : i32 to index
        %parallel_loop3A_256 = arith.constant 16 : index
        %parallel_loop3A_257 = tpu.vector_load %arg9[%parallel_loop3A_255, %parallel_loop3A_256] {strides = array<i32>} : memref<80x128xf32, #tpu.memory_space<vmem>>, vector<1x16xf32>,
        %parallel_loop3A_258 = vector.shape_cast %parallel_loop3A_257 : vector<1x16xf32> to vector<16xf32>
        %parallel_loop3A_259 = vector.shape_cast %parallel_loop3A_254 : vector<16xf32> to vector<1x16xf32>
        tpu.vector_store %arg9[%parallel_loop3A_255, %parallel_loop3A_256], %parallel_loop3A_259 {add = true, strides = array<i32>} : memref<80x128xf32, #tpu.memory_space<vmem>>, vector<1x16xf32>,
        %parallel_loop3A_260 = arith.constant 32 : i32
        %parallel_loop3A_261 = arith.addi %parallel_loop3A_239, %parallel_loop3A_260 : i32
        %parallel_loop3A_262 = arith.index_cast %parallel_loop3A_261 : i32 to index
        %parallel_loop3A_263 = tpu.vector_load %arg7[%parallel_loop3A_262] {strides = array<i32>} : memref<30720xf32, #tpu.memory_space<vmem>>, vector<16xf32>,
        %parallel_loop3A_264 = vector.shape_cast %parallel_loop3A_263 : vector<16xf32> to vector<16xf32>
        %parallel_loop3A_265 = arith.index_cast %parallel_loop3A_236 : i32 to index
        %parallel_loop3A_266 = arith.constant 32 : index
        %parallel_loop3A_267 = tpu.vector_load %arg9[%parallel_loop3A_265, %parallel_loop3A_266] {strides = array<i32>} : memref<80x128xf32, #tpu.memory_space<vmem>>, vector<1x16xf32>,
        %parallel_loop3A_268 = vector.shape_cast %parallel_loop3A_267 : vector<1x16xf32> to vector<16xf32>
        %parallel_loop3A_269 = vector.shape_cast %parallel_loop3A_264 : vector<16xf32> to vector<1x16xf32>
        tpu.vector_store %arg9[%parallel_loop3A_265, %parallel_loop3A_266], %parallel_loop3A_269 {add = true, strides = array<i32>} : memref<80x128xf32, #tpu.memory_space<vmem>>, vector<1x16xf32>,
        %parallel_loop3A_270 = arith.constant 48 : i32
        %parallel_loop3A_271 = arith.addi %parallel_loop3A_239, %parallel_loop3A_270 : i32
        %parallel_loop3A_272 = arith.index_cast %parallel_loop3A_271 : i32 to index
        %parallel_loop3A_273 = tpu.vector_load %arg7[%parallel_loop3A_272] {strides = array<i32>} : memref<30720xf32, #tpu.memory_space<vmem>>, vector<16xf32>,
        %parallel_loop3A_274 = vector.shape_cast %parallel_loop3A_273 : vector<16xf32> to vector<16xf32>
        %parallel_loop3A_275 = arith.index_cast %parallel_loop3A_236 : i32 to index
        %parallel_loop3A_276 = arith.constant 48 : index
        %parallel_loop3A_277 = tpu.vector_load %arg9[%parallel_loop3A_275, %parallel_loop3A_276] {strides = array<i32>} : memref<80x128xf32, #tpu.memory_space<vmem>>, vector<1x16xf32>,
        %parallel_loop3A_278 = vector.shape_cast %parallel_loop3A_277 : vector<1x16xf32> to vector<16xf32>
        %parallel_loop3A_279 = vector.shape_cast %parallel_loop3A_274 : vector<16xf32> to vector<1x16xf32>
        tpu.vector_store %arg9[%parallel_loop3A_275, %parallel_loop3A_276], %parallel_loop3A_279 {add = true, strides = array<i32>} : memref<80x128xf32, #tpu.memory_space<vmem>>, vector<1x16xf32>,
        %parallel_loop3A_280 = arith.constant 64 : i32
        %parallel_loop3A_281 = arith.addi %parallel_loop3A_239, %parallel_loop3A_280 : i32
        %parallel_loop3A_282 = arith.index_cast %parallel_loop3A_281 : i32 to index
        %parallel_loop3A_283 = tpu.vector_load %arg7[%parallel_loop3A_282] {strides = array<i32>} : memref<30720xf32, #tpu.memory_space<vmem>>, vector<16xf32>,
        %parallel_loop3A_284 = vector.shape_cast %parallel_loop3A_283 : vector<16xf32> to vector<16xf32>
        %parallel_loop3A_285 = arith.index_cast %parallel_loop3A_236 : i32 to index
        %parallel_loop3A_286 = arith.constant 64 : index
        %parallel_loop3A_287 = tpu.vector_load %arg9[%parallel_loop3A_285, %parallel_loop3A_286] {strides = array<i32>} : memref<80x128xf32, #tpu.memory_space<vmem>>, vector<1x16xf32>,
        %parallel_loop3A_288 = vector.shape_cast %parallel_loop3A_287 : vector<1x16xf32> to vector<16xf32>
        %parallel_loop3A_289 = vector.shape_cast %parallel_loop3A_284 : vector<16xf32> to vector<1x16xf32>
        tpu.vector_store %arg9[%parallel_loop3A_285, %parallel_loop3A_286], %parallel_loop3A_289 {add = true, strides = array<i32>} : memref<80x128xf32, #tpu.memory_space<vmem>>, vector<1x16xf32>,
        %parallel_loop3A_290 = arith.constant 80 : i32
        %parallel_loop3A_291 = arith.addi %parallel_loop3A_239, %parallel_loop3A_290 : i32
        %parallel_loop3A_292 = arith.index_cast %parallel_loop3A_291 : i32 to index
        %parallel_loop3A_293 = tpu.vector_load %arg7[%parallel_loop3A_292] {strides = array<i32>} : memref<30720xf32, #tpu.memory_space<vmem>>, vector<16xf32>,
        %parallel_loop3A_294 = vector.shape_cast %parallel_loop3A_293 : vector<16xf32> to vector<16xf32>
        %parallel_loop3A_295 = arith.index_cast %parallel_loop3A_236 : i32 to index
        %parallel_loop3A_296 = arith.constant 80 : index
        %parallel_loop3A_297 = tpu.vector_load %arg9[%parallel_loop3A_295, %parallel_loop3A_296] {strides = array<i32>} : memref<80x128xf32, #tpu.memory_space<vmem>>, vector<1x16xf32>,
        %parallel_loop3A_298 = vector.shape_cast %parallel_loop3A_297 : vector<1x16xf32> to vector<16xf32>
        %parallel_loop3A_299 = vector.shape_cast %parallel_loop3A_294 : vector<16xf32> to vector<1x16xf32>
        tpu.vector_store %arg9[%parallel_loop3A_295, %parallel_loop3A_296], %parallel_loop3A_299 {add = true, strides = array<i32>} : memref<80x128xf32, #tpu.memory_space<vmem>>, vector<1x16xf32>,
        %parallel_loop3A_300 = arith.constant 96 : i32
        %parallel_loop3A_301 = arith.addi %parallel_loop3A_239, %parallel_loop3A_300 : i32
        %parallel_loop3A_302 = arith.index_cast %parallel_loop3A_301 : i32 to index
        %parallel_loop3A_303 = tpu.vector_load %arg7[%parallel_loop3A_302] {strides = array<i32>} : memref<30720xf32, #tpu.memory_space<vmem>>, vector<16xf32>,
        %parallel_loop3A_304 = vector.shape_cast %parallel_loop3A_303 : vector<16xf32> to vector<16xf32>
        %parallel_loop3A_305 = arith.index_cast %parallel_loop3A_236 : i32 to index
        %parallel_loop3A_306 = arith.constant 96 : index
        %parallel_loop3A_307 = tpu.vector_load %arg9[%parallel_loop3A_305, %parallel_loop3A_306] {strides = array<i32>} : memref<80x128xf32, #tpu.memory_space<vmem>>, vector<1x16xf32>,
        %parallel_loop3A_308 = vector.shape_cast %parallel_loop3A_307 : vector<1x16xf32> to vector<16xf32>
        %parallel_loop3A_309 = vector.shape_cast %parallel_loop3A_304 : vector<16xf32> to vector<1x16xf32>
        tpu.vector_store %arg9[%parallel_loop3A_305, %parallel_loop3A_306], %parallel_loop3A_309 {add = true, strides = array<i32>} : memref<80x128xf32, #tpu.memory_space<vmem>>, vector<1x16xf32>,
        %parallel_loop3A_310 = arith.constant 112 : i32
        %parallel_loop3A_311 = arith.addi %parallel_loop3A_239, %parallel_loop3A_310 : i32
        %parallel_loop3A_312 = arith.index_cast %parallel_loop3A_311 : i32 to index
        %parallel_loop3A_313 = tpu.vector_load %arg7[%parallel_loop3A_312] {strides = array<i32>} : memref<30720xf32, #tpu.memory_space<vmem>>, vector<16xf32>,
        %parallel_loop3A_314 = vector.shape_cast %parallel_loop3A_313 : vector<16xf32> to vector<16xf32>
        %parallel_loop3A_315 = arith.index_cast %parallel_loop3A_236 : i32 to index
        %parallel_loop3A_316 = arith.constant 112 : index
        %parallel_loop3A_317 = tpu.vector_load %arg9[%parallel_loop3A_315, %parallel_loop3A_316] {strides = array<i32>} : memref<80x128xf32, #tpu.memory_space<vmem>>, vector<1x16xf32>,
        %parallel_loop3A_318 = vector.shape_cast %parallel_loop3A_317 : vector<1x16xf32> to vector<16xf32>
        %parallel_loop3A_319 = vector.shape_cast %parallel_loop3A_314 : vector<16xf32> to vector<1x16xf32>
        tpu.vector_store %arg9[%parallel_loop3A_315, %parallel_loop3A_316], %parallel_loop3A_319 {add = true, strides = array<i32>} : memref<80x128xf32, #tpu.memory_space<vmem>>, vector<1x16xf32>,
      } {sc.loop_unroll_factor = 4 : i64, sc.parallel_access}
      %mul3A_98 = arith.constant 80 : i32
      %mul3A_99 = arith.muli %add3A_82, %mul3A_98 : i32
      %add3A_100 = arith.addi %mul3A_2, %mul3A_99 : i32
      %dma_start3A_101 = arith.constant 0 : i32
      %dma_start3A_102 = tpu.memref_slice %arg5[%add3A_100, %dma_start3A_101] : memref<819200x128xf32, #tpu.memory_space<hbm>> -> memref<80x128xf32, #tpu.memory_space<hbm>>
      %dma_start3A_103 = arith.constant 0 : i32
      %dma_start3A_104 = tpu.memref_slice %arg5[%add3A_100, %dma_start3A_103] : memref<819200x128xf32, #tpu.memory_space<hbm>> -> memref<80x128xf32, #tpu.memory_space<hbm>>
      tpu.enqueue_dma source(%arg9 : memref<80x128xf32, #tpu.memory_space<vmem>>) target(%dma_start3A_104 : memref<80x128xf32, #tpu.memory_space<hbm>>) target_semaphore(%arg19 : memref<!tpu.dma_semaphore, #tpu.memory_space<semaphore_mem>>)
      %ge3A_105 = arith.constant 1 : i32
      %ge3A_106 = arith.cmpi sge, %add3A_44, %ge3A_105 : i32
      %convert_element_type3A_107 = arith.extui %ge3A_106 : i1 to i32
      %cond3A_108 = arith.constant 0 : i32
      %cond3A_109 = arith.cmpi ne, %convert_element_type3A_107, %cond3A_108 : i32
      scf.if %cond3A_109 {
        %sub3A_236 = arith.constant 2 : i32
        %sub3A_237 = arith.subi %add3A_82, %sub3A_236 : i32
        %mul3A_238 = arith.constant 80 : i32
        %mul3A_239 = arith.muli %sub3A_237, %mul3A_238 : i32
        %add3A_240 = arith.addi %mul3A_2, %mul3A_239 : i32
        %dma_wait3A_241 = arith.constant 0 : i32
        %dma_wait3A_242 = tpu.memref_slice %arg5[%add3A_240, %dma_wait3A_241] : memref<819200x128xf32, #tpu.memory_space<hbm>> -> memref<80x128xf32, #tpu.memory_space<hbm>>
        %dma_wait3A_243 = arith.constant 0 : i32
        %dma_wait3A_244 = tpu.memref_slice %arg5[%add3A_240, %dma_wait3A_243] : memref<819200x128xf32, #tpu.memory_space<hbm>> -> memref<80x128xf32, #tpu.memory_space<hbm>>
        tpu.wait_dma2 semaphore(%arg22 : memref<!tpu.dma_semaphore, #tpu.memory_space<semaphore_mem>>) src(%arg12 : memref<80x128xf32, #tpu.memory_space<vmem>>) dst(%dma_wait3A_244 : memref<80x128xf32, #tpu.memory_space<hbm>>)
      } else {
      }
      %add3A_110 = arith.constant 3 : i32
      %add3A_111 = arith.addi %add3A_82, %add3A_110 : i32
      %dma_start3A_112 = arith.constant 0 : i32
      %dma_start3A_113 = tpu.memref_slice %arg6[%add3A_111, %dma_start3A_112] : memref<320x80xi32, #tpu.memory_space<vmem>> -> memref<1x80xi32, #tpu.memory_space<vmem>>
      %dma_start3A_114 = tpu.memref_squeeze %dma_start3A_113 : memref<1x80xi32, #tpu.memory_space<vmem>> -> memref<80xi32, #tpu.memory_space<vmem>>
      %dma_start3A_115 = arith.constant 0 : i32
      %dma_start3A_116 = arith.constant 0 : i32
      %dma_start3A_117 = tpu.memref_slice %arg4[%dma_start3A_115, %dma_start3A_116] : memref<100000x128xf32, #tpu.memory_space<hbm>> -> memref<100000x128xf32, #tpu.memory_space<hbm>>
      tpu.enqueue_indirect_dma source(%dma_start3A_117 : memref<100000x128xf32, #tpu.memory_space<hbm>>) target(%arg12 : memref<80x128xf32, #tpu.memory_space<vmem>>) offsets(%dma_start3A_114 : memref<80xi32, #tpu.memory_space<vmem>>) semaphore(%arg17 : memref<!tpu.dma_semaphore, #tpu.memory_space<semaphore_mem>>)
      %mul3A_118 = arith.constant 5 : i32
      %mul3A_119 = arith.muli %mul3A_118, %add3A_44 : i32
      %add3A_120 = arith.constant 2 : i32
      %add3A_121 = arith.addi %mul3A_119, %add3A_120 : i32
      %dma_wait3A_122 = arith.constant 0 : i32
      %dma_wait3A_123 = tpu.memref_slice %arg6[%add3A_121, %dma_wait3A_122] : memref<320x80xi32, #tpu.memory_space<vmem>> -> memref<1x80xi32, #tpu.memory_space<vmem>>
      %dma_wait3A_124 = tpu.memref_squeeze %dma_wait3A_123 : memref<1x80xi32, #tpu.memory_space<vmem>> -> memref<80xi32, #tpu.memory_space<vmem>>
      %dma_wait3A_125 = arith.constant 0 : i32
      %dma_wait3A_126 = arith.constant 0 : i32
      %dma_wait3A_127 = tpu.memref_slice %arg4[%dma_wait3A_125, %dma_wait3A_126] : memref<100000x128xf32, #tpu.memory_space<hbm>> -> memref<100000x128xf32, #tpu.memory_space<hbm>>
      tpu.wait_indirect_dma semaphore(%arg15 : memref<!tpu.dma_semaphore, #tpu.memory_space<semaphore_mem>>) src(%dma_wait3A_127 : memref<100000x128xf32, #tpu.memory_space<hbm>>) dst(%arg10 : memref<80x128xf32, #tpu.memory_space<vmem>>)
      %mul3A_128 = arith.constant 80 : i32
      %mul3A_129 = arith.muli %add3A_121, %mul3A_128 : i32
      %rem3A_130 = arith.constant 200 : i32
      %rem3A_131 = arith.remsi %mul3A_129, %rem3A_130 : i32
      %mul3A_132 = arith.constant 128 : i32
      %mul3A_133 = arith.muli %rem3A_131, %mul3A_132 : i32
      %parallel_loop3A_134 = arith.constant 0 : i32
      %parallel_loop3A_135 = arith.constant 80 : i32
      %parallel_loop3A_136 = arith.constant 1 : i32
      scf.for %parallel_loop3A_236 = %parallel_loop3A_134 to %parallel_loop3A_135 step %parallel_loop3A_136  : i32 {
        %parallel_loop3A_237 = arith.constant 128 : i32
        %parallel_loop3A_238 = arith.muli %parallel_loop3A_236, %parallel_loop3A_237 : i32
        %parallel_loop3A_239 = arith.addi %mul3A_133, %parallel_loop3A_238 : i32
        %parallel_loop3A_240 = arith.constant 0 : i32
        %parallel_loop3A_241 = arith.addi %parallel_loop3A_239, %parallel_loop3A_240 : i32
        %parallel_loop3A_242 = arith.index_cast %parallel_loop3A_241 : i32 to index
        %parallel_loop3A_243 = tpu.vector_load %arg7[%parallel_loop3A_242] {strides = array<i32>} : memref<30720xf32, #tpu.memory_space<vmem>>, vector<16xf32>,
        %parallel_loop3A_244 = vector.shape_cast %parallel_loop3A_243 : vector<16xf32> to vector<16xf32>
        %parallel_loop3A_245 = arith.index_cast %parallel_loop3A_236 : i32 to index
        %parallel_loop3A_246 = arith.constant 0 : index
        %parallel_loop3A_247 = tpu.vector_load %arg10[%parallel_loop3A_245, %parallel_loop3A_246] {strides = array<i32>} : memref<80x128xf32, #tpu.memory_space<vmem>>, vector<1x16xf32>,
        %parallel_loop3A_248 = vector.shape_cast %parallel_loop3A_247 : vector<1x16xf32> to vector<16xf32>
        %parallel_loop3A_249 = vector.shape_cast %parallel_loop3A_244 : vector<16xf32> to vector<1x16xf32>
        tpu.vector_store %arg10[%parallel_loop3A_245, %parallel_loop3A_246], %parallel_loop3A_249 {add = true, strides = array<i32>} : memref<80x128xf32, #tpu.memory_space<vmem>>, vector<1x16xf32>,
        %parallel_loop3A_250 = arith.constant 16 : i32
        %parallel_loop3A_251 = arith.addi %parallel_loop3A_239, %parallel_loop3A_250 : i32
        %parallel_loop3A_252 = arith.index_cast %parallel_loop3A_251 : i32 to index
        %parallel_loop3A_253 = tpu.vector_load %arg7[%parallel_loop3A_252] {strides = array<i32>} : memref<30720xf32, #tpu.memory_space<vmem>>, vector<16xf32>,
        %parallel_loop3A_254 = vector.shape_cast %parallel_loop3A_253 : vector<16xf32> to vector<16xf32>
        %parallel_loop3A_255 = arith.index_cast %parallel_loop3A_236 : i32 to index
        %parallel_loop3A_256 = arith.constant 16 : index
        %parallel_loop3A_257 = tpu.vector_load %arg10[%parallel_loop3A_255, %parallel_loop3A_256] {strides = array<i32>} : memref<80x128xf32, #tpu.memory_space<vmem>>, vector<1x16xf32>,
        %parallel_loop3A_258 = vector.shape_cast %parallel_loop3A_257 : vector<1x16xf32> to vector<16xf32>
        %parallel_loop3A_259 = vector.shape_cast %parallel_loop3A_254 : vector<16xf32> to vector<1x16xf32>
        tpu.vector_store %arg10[%parallel_loop3A_255, %parallel_loop3A_256], %parallel_loop3A_259 {add = true, strides = array<i32>} : memref<80x128xf32, #tpu.memory_space<vmem>>, vector<1x16xf32>,
        %parallel_loop3A_260 = arith.constant 32 : i32
        %parallel_loop3A_261 = arith.addi %parallel_loop3A_239, %parallel_loop3A_260 : i32
        %parallel_loop3A_262 = arith.index_cast %parallel_loop3A_261 : i32 to index
        %parallel_loop3A_263 = tpu.vector_load %arg7[%parallel_loop3A_262] {strides = array<i32>} : memref<30720xf32, #tpu.memory_space<vmem>>, vector<16xf32>,
        %parallel_loop3A_264 = vector.shape_cast %parallel_loop3A_263 : vector<16xf32> to vector<16xf32>
        %parallel_loop3A_265 = arith.index_cast %parallel_loop3A_236 : i32 to index
        %parallel_loop3A_266 = arith.constant 32 : index
        %parallel_loop3A_267 = tpu.vector_load %arg10[%parallel_loop3A_265, %parallel_loop3A_266] {strides = array<i32>} : memref<80x128xf32, #tpu.memory_space<vmem>>, vector<1x16xf32>,
        %parallel_loop3A_268 = vector.shape_cast %parallel_loop3A_267 : vector<1x16xf32> to vector<16xf32>
        %parallel_loop3A_269 = vector.shape_cast %parallel_loop3A_264 : vector<16xf32> to vector<1x16xf32>
        tpu.vector_store %arg10[%parallel_loop3A_265, %parallel_loop3A_266], %parallel_loop3A_269 {add = true, strides = array<i32>} : memref<80x128xf32, #tpu.memory_space<vmem>>, vector<1x16xf32>,
        %parallel_loop3A_270 = arith.constant 48 : i32
        %parallel_loop3A_271 = arith.addi %parallel_loop3A_239, %parallel_loop3A_270 : i32
        %parallel_loop3A_272 = arith.index_cast %parallel_loop3A_271 : i32 to index
        %parallel_loop3A_273 = tpu.vector_load %arg7[%parallel_loop3A_272] {strides = array<i32>} : memref<30720xf32, #tpu.memory_space<vmem>>, vector<16xf32>,
        %parallel_loop3A_274 = vector.shape_cast %parallel_loop3A_273 : vector<16xf32> to vector<16xf32>
        %parallel_loop3A_275 = arith.index_cast %parallel_loop3A_236 : i32 to index
        %parallel_loop3A_276 = arith.constant 48 : index
        %parallel_loop3A_277 = tpu.vector_load %arg10[%parallel_loop3A_275, %parallel_loop3A_276] {strides = array<i32>} : memref<80x128xf32, #tpu.memory_space<vmem>>, vector<1x16xf32>,
        %parallel_loop3A_278 = vector.shape_cast %parallel_loop3A_277 : vector<1x16xf32> to vector<16xf32>
        %parallel_loop3A_279 = vector.shape_cast %parallel_loop3A_274 : vector<16xf32> to vector<1x16xf32>
        tpu.vector_store %arg10[%parallel_loop3A_275, %parallel_loop3A_276], %parallel_loop3A_279 {add = true, strides = array<i32>} : memref<80x128xf32, #tpu.memory_space<vmem>>, vector<1x16xf32>,
        %parallel_loop3A_280 = arith.constant 64 : i32
        %parallel_loop3A_281 = arith.addi %parallel_loop3A_239, %parallel_loop3A_280 : i32
        %parallel_loop3A_282 = arith.index_cast %parallel_loop3A_281 : i32 to index
        %parallel_loop3A_283 = tpu.vector_load %arg7[%parallel_loop3A_282] {strides = array<i32>} : memref<30720xf32, #tpu.memory_space<vmem>>, vector<16xf32>,
        %parallel_loop3A_284 = vector.shape_cast %parallel_loop3A_283 : vector<16xf32> to vector<16xf32>
        %parallel_loop3A_285 = arith.index_cast %parallel_loop3A_236 : i32 to index
        %parallel_loop3A_286 = arith.constant 64 : index
        %parallel_loop3A_287 = tpu.vector_load %arg10[%parallel_loop3A_285, %parallel_loop3A_286] {strides = array<i32>} : memref<80x128xf32, #tpu.memory_space<vmem>>, vector<1x16xf32>,
        %parallel_loop3A_288 = vector.shape_cast %parallel_loop3A_287 : vector<1x16xf32> to vector<16xf32>
        %parallel_loop3A_289 = vector.shape_cast %parallel_loop3A_284 : vector<16xf32> to vector<1x16xf32>
        tpu.vector_store %arg10[%parallel_loop3A_285, %parallel_loop3A_286], %parallel_loop3A_289 {add = true, strides = array<i32>} : memref<80x128xf32, #tpu.memory_space<vmem>>, vector<1x16xf32>,
        %parallel_loop3A_290 = arith.constant 80 : i32
        %parallel_loop3A_291 = arith.addi %parallel_loop3A_239, %parallel_loop3A_290 : i32
        %parallel_loop3A_292 = arith.index_cast %parallel_loop3A_291 : i32 to index
        %parallel_loop3A_293 = tpu.vector_load %arg7[%parallel_loop3A_292] {strides = array<i32>} : memref<30720xf32, #tpu.memory_space<vmem>>, vector<16xf32>,
        %parallel_loop3A_294 = vector.shape_cast %parallel_loop3A_293 : vector<16xf32> to vector<16xf32>
        %parallel_loop3A_295 = arith.index_cast %parallel_loop3A_236 : i32 to index
        %parallel_loop3A_296 = arith.constant 80 : index
        %parallel_loop3A_297 = tpu.vector_load %arg10[%parallel_loop3A_295, %parallel_loop3A_296] {strides = array<i32>} : memref<80x128xf32, #tpu.memory_space<vmem>>, vector<1x16xf32>,
        %parallel_loop3A_298 = vector.shape_cast %parallel_loop3A_297 : vector<1x16xf32> to vector<16xf32>
        %parallel_loop3A_299 = vector.shape_cast %parallel_loop3A_294 : vector<16xf32> to vector<1x16xf32>
        tpu.vector_store %arg10[%parallel_loop3A_295, %parallel_loop3A_296], %parallel_loop3A_299 {add = true, strides = array<i32>} : memref<80x128xf32, #tpu.memory_space<vmem>>, vector<1x16xf32>,
        %parallel_loop3A_300 = arith.constant 96 : i32
        %parallel_loop3A_301 = arith.addi %parallel_loop3A_239, %parallel_loop3A_300 : i32
        %parallel_loop3A_302 = arith.index_cast %parallel_loop3A_301 : i32 to index
        %parallel_loop3A_303 = tpu.vector_load %arg7[%parallel_loop3A_302] {strides = array<i32>} : memref<30720xf32, #tpu.memory_space<vmem>>, vector<16xf32>,
        %parallel_loop3A_304 = vector.shape_cast %parallel_loop3A_303 : vector<16xf32> to vector<16xf32>
        %parallel_loop3A_305 = arith.index_cast %parallel_loop3A_236 : i32 to index
        %parallel_loop3A_306 = arith.constant 96 : index
        %parallel_loop3A_307 = tpu.vector_load %arg10[%parallel_loop3A_305, %parallel_loop3A_306] {strides = array<i32>} : memref<80x128xf32, #tpu.memory_space<vmem>>, vector<1x16xf32>,
        %parallel_loop3A_308 = vector.shape_cast %parallel_loop3A_307 : vector<1x16xf32> to vector<16xf32>
        %parallel_loop3A_309 = vector.shape_cast %parallel_loop3A_304 : vector<16xf32> to vector<1x16xf32>
        tpu.vector_store %arg10[%parallel_loop3A_305, %parallel_loop3A_306], %parallel_loop3A_309 {add = true, strides = array<i32>} : memref<80x128xf32, #tpu.memory_space<vmem>>, vector<1x16xf32>,
        %parallel_loop3A_310 = arith.constant 112 : i32
        %parallel_loop3A_311 = arith.addi %parallel_loop3A_239, %parallel_loop3A_310 : i32
        %parallel_loop3A_312 = arith.index_cast %parallel_loop3A_311 : i32 to index
        %parallel_loop3A_313 = tpu.vector_load %arg7[%parallel_loop3A_312] {strides = array<i32>} : memref<30720xf32, #tpu.memory_space<vmem>>, vector<16xf32>,
        %parallel_loop3A_314 = vector.shape_cast %parallel_loop3A_313 : vector<16xf32> to vector<16xf32>
        %parallel_loop3A_315 = arith.index_cast %parallel_loop3A_236 : i32 to index
        %parallel_loop3A_316 = arith.constant 112 : index
        %parallel_loop3A_317 = tpu.vector_load %arg10[%parallel_loop3A_315, %parallel_loop3A_316] {strides = array<i32>} : memref<80x128xf32, #tpu.memory_space<vmem>>, vector<1x16xf32>,
        %parallel_loop3A_318 = vector.shape_cast %parallel_loop3A_317 : vector<1x16xf32> to vector<16xf32>
        %parallel_loop3A_319 = vector.shape_cast %parallel_loop3A_314 : vector<16xf32> to vector<1x16xf32>
        tpu.vector_store %arg10[%parallel_loop3A_315, %parallel_loop3A_316], %parallel_loop3A_319 {add = true, strides = array<i32>} : memref<80x128xf32, #tpu.memory_space<vmem>>, vector<1x16xf32>,
      } {sc.loop_unroll_factor = 4 : i64, sc.parallel_access}
      %mul3A_137 = arith.constant 80 : i32
      %mul3A_138 = arith.muli %add3A_121, %mul3A_137 : i32
      %add3A_139 = arith.addi %mul3A_2, %mul3A_138 : i32
      %dma_start3A_140 = arith.constant 0 : i32
      %dma_start3A_141 = tpu.memref_slice %arg5[%add3A_139, %dma_start3A_140] : memref<819200x128xf32, #tpu.memory_space<hbm>> -> memref<80x128xf32, #tpu.memory_space<hbm>>
      %dma_start3A_142 = arith.constant 0 : i32
      %dma_start3A_143 = tpu.memref_slice %arg5[%add3A_139, %dma_start3A_142] : memref<819200x128xf32, #tpu.memory_space<hbm>> -> memref<80x128xf32, #tpu.memory_space<hbm>>
      tpu.enqueue_dma source(%arg10 : memref<80x128xf32, #tpu.memory_space<vmem>>) target(%dma_start3A_143 : memref<80x128xf32, #tpu.memory_space<hbm>>) target_semaphore(%arg20 : memref<!tpu.dma_semaphore, #tpu.memory_space<semaphore_mem>>)
      %sub3A = arith.constant 2 : i32
      %sub3A_144 = arith.subi %add3A_121, %sub3A : i32
      %mul3A_145 = arith.constant 80 : i32
      %mul3A_146 = arith.muli %sub3A_144, %mul3A_145 : i32
      %add3A_147 = arith.addi %mul3A_2, %mul3A_146 : i32
      %dma_wait3A_148 = arith.constant 0 : i32
      %dma_wait3A_149 = tpu.memref_slice %arg5[%add3A_147, %dma_wait3A_148] : memref<819200x128xf32, #tpu.memory_space<hbm>> -> memref<80x128xf32, #tpu.memory_space<hbm>>
      %dma_wait3A_150 = arith.constant 0 : i32
      %dma_wait3A_151 = tpu.memref_slice %arg5[%add3A_147, %dma_wait3A_150] : memref<819200x128xf32, #tpu.memory_space<hbm>> -> memref<80x128xf32, #tpu.memory_space<hbm>>
      tpu.wait_dma2 semaphore(%arg18 : memref<!tpu.dma_semaphore, #tpu.memory_space<semaphore_mem>>) src(%arg8 : memref<80x128xf32, #tpu.memory_space<vmem>>) dst(%dma_wait3A_151 : memref<80x128xf32, #tpu.memory_space<hbm>>)
      %lt3A = arith.constant 63 : i32
      %lt3A_152 = arith.cmpi slt, %add3A_44, %lt3A : i32
      %convert_element_type3A_153 = arith.extui %lt3A_152 : i1 to i32
      %cond3A_154 = arith.constant 0 : i32
      %cond3A_155 = arith.cmpi ne, %convert_element_type3A_153, %cond3A_154 : i32
      scf.if %cond3A_155 {
        %add3A_236 = arith.constant 3 : i32
        %add3A_237 = arith.addi %add3A_121, %add3A_236 : i32
        %dma_start3A_238 = arith.constant 0 : i32
        %dma_start3A_239 = tpu.memref_slice %arg6[%add3A_237, %dma_start3A_238] : memref<320x80xi32, #tpu.memory_space<vmem>> -> memref<1x80xi32, #tpu.memory_space<vmem>>
        %dma_start3A_240 = tpu.memref_squeeze %dma_start3A_239 : memref<1x80xi32, #tpu.memory_space<vmem>> -> memref<80xi32, #tpu.memory_space<vmem>>
        %dma_start3A_241 = arith.constant 0 : i32
        %dma_start3A_242 = arith.constant 0 : i32
        %dma_start3A_243 = tpu.memref_slice %arg4[%dma_start3A_241, %dma_start3A_242] : memref<100000x128xf32, #tpu.memory_space<hbm>> -> memref<100000x128xf32, #tpu.memory_space<hbm>>
        tpu.enqueue_indirect_dma source(%dma_start3A_243 : memref<100000x128xf32, #tpu.memory_space<hbm>>) target(%arg8 : memref<80x128xf32, #tpu.memory_space<vmem>>) offsets(%dma_start3A_240 : memref<80xi32, #tpu.memory_space<vmem>>) semaphore(%arg13 : memref<!tpu.dma_semaphore, #tpu.memory_space<semaphore_mem>>)
      } else {
      }
      %mul3A_156 = arith.constant 5 : i32
      %mul3A_157 = arith.muli %mul3A_156, %add3A_44 : i32
      %add3A_158 = arith.constant 3 : i32
      %add3A_159 = arith.addi %mul3A_157, %add3A_158 : i32
      %dma_wait3A_160 = arith.constant 0 : i32
      %dma_wait3A_161 = tpu.memref_slice %arg6[%add3A_159, %dma_wait3A_160] : memref<320x80xi32, #tpu.memory_space<vmem>> -> memref<1x80xi32, #tpu.memory_space<vmem>>
      %dma_wait3A_162 = tpu.memref_squeeze %dma_wait3A_161 : memref<1x80xi32, #tpu.memory_space<vmem>> -> memref<80xi32, #tpu.memory_space<vmem>>
      %dma_wait3A_163 = arith.constant 0 : i32
      %dma_wait3A_164 = arith.constant 0 : i32
      %dma_wait3A_165 = tpu.memref_slice %arg4[%dma_wait3A_163, %dma_wait3A_164] : memref<100000x128xf32, #tpu.memory_space<hbm>> -> memref<100000x128xf32, #tpu.memory_space<hbm>>
      tpu.wait_indirect_dma semaphore(%arg16 : memref<!tpu.dma_semaphore, #tpu.memory_space<semaphore_mem>>) src(%dma_wait3A_165 : memref<100000x128xf32, #tpu.memory_space<hbm>>) dst(%arg11 : memref<80x128xf32, #tpu.memory_space<vmem>>)
      %mul3A_166 = arith.constant 80 : i32
      %mul3A_167 = arith.muli %add3A_159, %mul3A_166 : i32
      %rem3A_168 = arith.constant 200 : i32
      %rem3A_169 = arith.remsi %mul3A_167, %rem3A_168 : i32
      %mul3A_170 = arith.constant 128 : i32
      %mul3A_171 = arith.muli %rem3A_169, %mul3A_170 : i32
      %parallel_loop3A_172 = arith.constant 0 : i32
      %parallel_loop3A_173 = arith.constant 80 : i32
      %parallel_loop3A_174 = arith.constant 1 : i32
      scf.for %parallel_loop3A_236 = %parallel_loop3A_172 to %parallel_loop3A_173 step %parallel_loop3A_174  : i32 {
        %parallel_loop3A_237 = arith.constant 128 : i32
        %parallel_loop3A_238 = arith.muli %parallel_loop3A_236, %parallel_loop3A_237 : i32
        %parallel_loop3A_239 = arith.addi %mul3A_171, %parallel_loop3A_238 : i32
        %parallel_loop3A_240 = arith.constant 0 : i32
        %parallel_loop3A_241 = arith.addi %parallel_loop3A_239, %parallel_loop3A_240 : i32
        %parallel_loop3A_242 = arith.index_cast %parallel_loop3A_241 : i32 to index
        %parallel_loop3A_243 = tpu.vector_load %arg7[%parallel_loop3A_242] {strides = array<i32>} : memref<30720xf32, #tpu.memory_space<vmem>>, vector<16xf32>,
        %parallel_loop3A_244 = vector.shape_cast %parallel_loop3A_243 : vector<16xf32> to vector<16xf32>
        %parallel_loop3A_245 = arith.index_cast %parallel_loop3A_236 : i32 to index
        %parallel_loop3A_246 = arith.constant 0 : index
        %parallel_loop3A_247 = tpu.vector_load %arg11[%parallel_loop3A_245, %parallel_loop3A_246] {strides = array<i32>} : memref<80x128xf32, #tpu.memory_space<vmem>>, vector<1x16xf32>,
        %parallel_loop3A_248 = vector.shape_cast %parallel_loop3A_247 : vector<1x16xf32> to vector<16xf32>
        %parallel_loop3A_249 = vector.shape_cast %parallel_loop3A_244 : vector<16xf32> to vector<1x16xf32>
        tpu.vector_store %arg11[%parallel_loop3A_245, %parallel_loop3A_246], %parallel_loop3A_249 {add = true, strides = array<i32>} : memref<80x128xf32, #tpu.memory_space<vmem>>, vector<1x16xf32>,
        %parallel_loop3A_250 = arith.constant 16 : i32
        %parallel_loop3A_251 = arith.addi %parallel_loop3A_239, %parallel_loop3A_250 : i32
        %parallel_loop3A_252 = arith.index_cast %parallel_loop3A_251 : i32 to index
        %parallel_loop3A_253 = tpu.vector_load %arg7[%parallel_loop3A_252] {strides = array<i32>} : memref<30720xf32, #tpu.memory_space<vmem>>, vector<16xf32>,
        %parallel_loop3A_254 = vector.shape_cast %parallel_loop3A_253 : vector<16xf32> to vector<16xf32>
        %parallel_loop3A_255 = arith.index_cast %parallel_loop3A_236 : i32 to index
        %parallel_loop3A_256 = arith.constant 16 : index
        %parallel_loop3A_257 = tpu.vector_load %arg11[%parallel_loop3A_255, %parallel_loop3A_256] {strides = array<i32>} : memref<80x128xf32, #tpu.memory_space<vmem>>, vector<1x16xf32>,
        %parallel_loop3A_258 = vector.shape_cast %parallel_loop3A_257 : vector<1x16xf32> to vector<16xf32>
        %parallel_loop3A_259 = vector.shape_cast %parallel_loop3A_254 : vector<16xf32> to vector<1x16xf32>
        tpu.vector_store %arg11[%parallel_loop3A_255, %parallel_loop3A_256], %parallel_loop3A_259 {add = true, strides = array<i32>} : memref<80x128xf32, #tpu.memory_space<vmem>>, vector<1x16xf32>,
        %parallel_loop3A_260 = arith.constant 32 : i32
        %parallel_loop3A_261 = arith.addi %parallel_loop3A_239, %parallel_loop3A_260 : i32
        %parallel_loop3A_262 = arith.index_cast %parallel_loop3A_261 : i32 to index
        %parallel_loop3A_263 = tpu.vector_load %arg7[%parallel_loop3A_262] {strides = array<i32>} : memref<30720xf32, #tpu.memory_space<vmem>>, vector<16xf32>,
        %parallel_loop3A_264 = vector.shape_cast %parallel_loop3A_263 : vector<16xf32> to vector<16xf32>
        %parallel_loop3A_265 = arith.index_cast %parallel_loop3A_236 : i32 to index
        %parallel_loop3A_266 = arith.constant 32 : index
        %parallel_loop3A_267 = tpu.vector_load %arg11[%parallel_loop3A_265, %parallel_loop3A_266] {strides = array<i32>} : memref<80x128xf32, #tpu.memory_space<vmem>>, vector<1x16xf32>,
        %parallel_loop3A_268 = vector.shape_cast %parallel_loop3A_267 : vector<1x16xf32> to vector<16xf32>
        %parallel_loop3A_269 = vector.shape_cast %parallel_loop3A_264 : vector<16xf32> to vector<1x16xf32>
        tpu.vector_store %arg11[%parallel_loop3A_265, %parallel_loop3A_266], %parallel_loop3A_269 {add = true, strides = array<i32>} : memref<80x128xf32, #tpu.memory_space<vmem>>, vector<1x16xf32>,
        %parallel_loop3A_270 = arith.constant 48 : i32
        %parallel_loop3A_271 = arith.addi %parallel_loop3A_239, %parallel_loop3A_270 : i32
        %parallel_loop3A_272 = arith.index_cast %parallel_loop3A_271 : i32 to index
        %parallel_loop3A_273 = tpu.vector_load %arg7[%parallel_loop3A_272] {strides = array<i32>} : memref<30720xf32, #tpu.memory_space<vmem>>, vector<16xf32>,
        %parallel_loop3A_274 = vector.shape_cast %parallel_loop3A_273 : vector<16xf32> to vector<16xf32>
        %parallel_loop3A_275 = arith.index_cast %parallel_loop3A_236 : i32 to index
        %parallel_loop3A_276 = arith.constant 48 : index
        %parallel_loop3A_277 = tpu.vector_load %arg11[%parallel_loop3A_275, %parallel_loop3A_276] {strides = array<i32>} : memref<80x128xf32, #tpu.memory_space<vmem>>, vector<1x16xf32>,
        %parallel_loop3A_278 = vector.shape_cast %parallel_loop3A_277 : vector<1x16xf32> to vector<16xf32>
        %parallel_loop3A_279 = vector.shape_cast %parallel_loop3A_274 : vector<16xf32> to vector<1x16xf32>
        tpu.vector_store %arg11[%parallel_loop3A_275, %parallel_loop3A_276], %parallel_loop3A_279 {add = true, strides = array<i32>} : memref<80x128xf32, #tpu.memory_space<vmem>>, vector<1x16xf32>,
        %parallel_loop3A_280 = arith.constant 64 : i32
        %parallel_loop3A_281 = arith.addi %parallel_loop3A_239, %parallel_loop3A_280 : i32
        %parallel_loop3A_282 = arith.index_cast %parallel_loop3A_281 : i32 to index
        %parallel_loop3A_283 = tpu.vector_load %arg7[%parallel_loop3A_282] {strides = array<i32>} : memref<30720xf32, #tpu.memory_space<vmem>>, vector<16xf32>,
        %parallel_loop3A_284 = vector.shape_cast %parallel_loop3A_283 : vector<16xf32> to vector<16xf32>
        %parallel_loop3A_285 = arith.index_cast %parallel_loop3A_236 : i32 to index
        %parallel_loop3A_286 = arith.constant 64 : index
        %parallel_loop3A_287 = tpu.vector_load %arg11[%parallel_loop3A_285, %parallel_loop3A_286] {strides = array<i32>} : memref<80x128xf32, #tpu.memory_space<vmem>>, vector<1x16xf32>,
        %parallel_loop3A_288 = vector.shape_cast %parallel_loop3A_287 : vector<1x16xf32> to vector<16xf32>
        %parallel_loop3A_289 = vector.shape_cast %parallel_loop3A_284 : vector<16xf32> to vector<1x16xf32>
        tpu.vector_store %arg11[%parallel_loop3A_285, %parallel_loop3A_286], %parallel_loop3A_289 {add = true, strides = array<i32>} : memref<80x128xf32, #tpu.memory_space<vmem>>, vector<1x16xf32>,
        %parallel_loop3A_290 = arith.constant 80 : i32
        %parallel_loop3A_291 = arith.addi %parallel_loop3A_239, %parallel_loop3A_290 : i32
        %parallel_loop3A_292 = arith.index_cast %parallel_loop3A_291 : i32 to index
        %parallel_loop3A_293 = tpu.vector_load %arg7[%parallel_loop3A_292] {strides = array<i32>} : memref<30720xf32, #tpu.memory_space<vmem>>, vector<16xf32>,
        %parallel_loop3A_294 = vector.shape_cast %parallel_loop3A_293 : vector<16xf32> to vector<16xf32>
        %parallel_loop3A_295 = arith.index_cast %parallel_loop3A_236 : i32 to index
        %parallel_loop3A_296 = arith.constant 80 : index
        %parallel_loop3A_297 = tpu.vector_load %arg11[%parallel_loop3A_295, %parallel_loop3A_296] {strides = array<i32>} : memref<80x128xf32, #tpu.memory_space<vmem>>, vector<1x16xf32>,
        %parallel_loop3A_298 = vector.shape_cast %parallel_loop3A_297 : vector<1x16xf32> to vector<16xf32>
        %parallel_loop3A_299 = vector.shape_cast %parallel_loop3A_294 : vector<16xf32> to vector<1x16xf32>
        tpu.vector_store %arg11[%parallel_loop3A_295, %parallel_loop3A_296], %parallel_loop3A_299 {add = true, strides = array<i32>} : memref<80x128xf32, #tpu.memory_space<vmem>>, vector<1x16xf32>,
        %parallel_loop3A_300 = arith.constant 96 : i32
        %parallel_loop3A_301 = arith.addi %parallel_loop3A_239, %parallel_loop3A_300 : i32
        %parallel_loop3A_302 = arith.index_cast %parallel_loop3A_301 : i32 to index
        %parallel_loop3A_303 = tpu.vector_load %arg7[%parallel_loop3A_302] {strides = array<i32>} : memref<30720xf32, #tpu.memory_space<vmem>>, vector<16xf32>,
        %parallel_loop3A_304 = vector.shape_cast %parallel_loop3A_303 : vector<16xf32> to vector<16xf32>
        %parallel_loop3A_305 = arith.index_cast %parallel_loop3A_236 : i32 to index
        %parallel_loop3A_306 = arith.constant 96 : index
        %parallel_loop3A_307 = tpu.vector_load %arg11[%parallel_loop3A_305, %parallel_loop3A_306] {strides = array<i32>} : memref<80x128xf32, #tpu.memory_space<vmem>>, vector<1x16xf32>,
        %parallel_loop3A_308 = vector.shape_cast %parallel_loop3A_307 : vector<1x16xf32> to vector<16xf32>
        %parallel_loop3A_309 = vector.shape_cast %parallel_loop3A_304 : vector<16xf32> to vector<1x16xf32>
        tpu.vector_store %arg11[%parallel_loop3A_305, %parallel_loop3A_306], %parallel_loop3A_309 {add = true, strides = array<i32>} : memref<80x128xf32, #tpu.memory_space<vmem>>, vector<1x16xf32>,
        %parallel_loop3A_310 = arith.constant 112 : i32
        %parallel_loop3A_311 = arith.addi %parallel_loop3A_239, %parallel_loop3A_310 : i32
        %parallel_loop3A_312 = arith.index_cast %parallel_loop3A_311 : i32 to index
        %parallel_loop3A_313 = tpu.vector_load %arg7[%parallel_loop3A_312] {strides = array<i32>} : memref<30720xf32, #tpu.memory_space<vmem>>, vector<16xf32>,
        %parallel_loop3A_314 = vector.shape_cast %parallel_loop3A_313 : vector<16xf32> to vector<16xf32>
        %parallel_loop3A_315 = arith.index_cast %parallel_loop3A_236 : i32 to index
        %parallel_loop3A_316 = arith.constant 112 : index
        %parallel_loop3A_317 = tpu.vector_load %arg11[%parallel_loop3A_315, %parallel_loop3A_316] {strides = array<i32>} : memref<80x128xf32, #tpu.memory_space<vmem>>, vector<1x16xf32>,
        %parallel_loop3A_318 = vector.shape_cast %parallel_loop3A_317 : vector<1x16xf32> to vector<16xf32>
        %parallel_loop3A_319 = vector.shape_cast %parallel_loop3A_314 : vector<16xf32> to vector<1x16xf32>
        tpu.vector_store %arg11[%parallel_loop3A_315, %parallel_loop3A_316], %parallel_loop3A_319 {add = true, strides = array<i32>} : memref<80x128xf32, #tpu.memory_space<vmem>>, vector<1x16xf32>,
      } {sc.loop_unroll_factor = 4 : i64, sc.parallel_access}
      %mul3A_175 = arith.constant 80 : i32
      %mul3A_176 = arith.muli %add3A_159, %mul3A_175 : i32
      %add3A_177 = arith.addi %mul3A_2, %mul3A_176 : i32
      %dma_start3A_178 = arith.constant 0 : i32
      %dma_start3A_179 = tpu.memref_slice %arg5[%add3A_177, %dma_start3A_178] : memref<819200x128xf32, #tpu.memory_space<hbm>> -> memref<80x128xf32, #tpu.memory_space<hbm>>
      %dma_start3A_180 = arith.constant 0 : i32
      %dma_start3A_181 = tpu.memref_slice %arg5[%add3A_177, %dma_start3A_180] : memref<819200x128xf32, #tpu.memory_space<hbm>> -> memref<80x128xf32, #tpu.memory_space<hbm>>
      tpu.enqueue_dma source(%arg11 : memref<80x128xf32, #tpu.memory_space<vmem>>) target(%dma_start3A_181 : memref<80x128xf32, #tpu.memory_space<hbm>>) target_semaphore(%arg21 : memref<!tpu.dma_semaphore, #tpu.memory_space<semaphore_mem>>)
      %sub3A_182 = arith.constant 2 : i32
      %sub3A_183 = arith.subi %add3A_159, %sub3A_182 : i32
      %mul3A_184 = arith.constant 80 : i32
      %mul3A_185 = arith.muli %sub3A_183, %mul3A_184 : i32
      %add3A_186 = arith.addi %mul3A_2, %mul3A_185 : i32
      %dma_wait3A_187 = arith.constant 0 : i32
      %dma_wait3A_188 = tpu.memref_slice %arg5[%add3A_186, %dma_wait3A_187] : memref<819200x128xf32, #tpu.memory_space<hbm>> -> memref<80x128xf32, #tpu.memory_space<hbm>>
      %dma_wait3A_189 = arith.constant 0 : i32
      %dma_wait3A_190 = tpu.memref_slice %arg5[%add3A_186, %dma_wait3A_189] : memref<819200x128xf32, #tpu.memory_space<hbm>> -> memref<80x128xf32, #tpu.memory_space<hbm>>
      tpu.wait_dma2 semaphore(%arg19 : memref<!tpu.dma_semaphore, #tpu.memory_space<semaphore_mem>>) src(%arg9 : memref<80x128xf32, #tpu.memory_space<vmem>>) dst(%dma_wait3A_190 : memref<80x128xf32, #tpu.memory_space<hbm>>)
      %lt3A_191 = arith.constant 63 : i32
      %lt3A_192 = arith.cmpi slt, %add3A_44, %lt3A_191 : i32
      %convert_element_type3A_193 = arith.extui %lt3A_192 : i1 to i32
      %cond3A_194 = arith.constant 0 : i32
      %cond3A_195 = arith.cmpi ne, %convert_element_type3A_193, %cond3A_194 : i32
      scf.if %cond3A_195 {
        %add3A_236 = arith.constant 3 : i32
        %add3A_237 = arith.addi %add3A_159, %add3A_236 : i32
        %dma_start3A_238 = arith.constant 0 : i32
        %dma_start3A_239 = tpu.memref_slice %arg6[%add3A_237, %dma_start3A_238] : memref<320x80xi32, #tpu.memory_space<vmem>> -> memref<1x80xi32, #tpu.memory_space<vmem>>
        %dma_start3A_240 = tpu.memref_squeeze %dma_start3A_239 : memref<1x80xi32, #tpu.memory_space<vmem>> -> memref<80xi32, #tpu.memory_space<vmem>>
        %dma_start3A_241 = arith.constant 0 : i32
        %dma_start3A_242 = arith.constant 0 : i32
        %dma_start3A_243 = tpu.memref_slice %arg4[%dma_start3A_241, %dma_start3A_242] : memref<100000x128xf32, #tpu.memory_space<hbm>> -> memref<100000x128xf32, #tpu.memory_space<hbm>>
        tpu.enqueue_indirect_dma source(%dma_start3A_243 : memref<100000x128xf32, #tpu.memory_space<hbm>>) target(%arg9 : memref<80x128xf32, #tpu.memory_space<vmem>>) offsets(%dma_start3A_240 : memref<80xi32, #tpu.memory_space<vmem>>) semaphore(%arg14 : memref<!tpu.dma_semaphore, #tpu.memory_space<semaphore_mem>>)
      } else {
      }
      %mul3A_196 = arith.constant 5 : i32
      %mul3A_197 = arith.muli %mul3A_196, %add3A_44 : i32
      %add3A_198 = arith.constant 4 : i32
      %add3A_199 = arith.addi %mul3A_197, %add3A_198 : i32
      %dma_wait3A_200 = arith.constant 0 : i32
      %dma_wait3A_201 = tpu.memref_slice %arg6[%add3A_199, %dma_wait3A_200] : memref<320x80xi32, #tpu.memory_space<vmem>> -> memref<1x80xi32, #tpu.memory_space<vmem>>
      %dma_wait3A_202 = tpu.memref_squeeze %dma_wait3A_201 : memref<1x80xi32, #tpu.memory_space<vmem>> -> memref<80xi32, #tpu.memory_space<vmem>>
      %dma_wait3A_203 = arith.constant 0 : i32
      %dma_wait3A_204 = arith.constant 0 : i32
      %dma_wait3A_205 = tpu.memref_slice %arg4[%dma_wait3A_203, %dma_wait3A_204] : memref<100000x128xf32, #tpu.memory_space<hbm>> -> memref<100000x128xf32, #tpu.memory_space<hbm>>
      tpu.wait_indirect_dma semaphore(%arg17 : memref<!tpu.dma_semaphore, #tpu.memory_space<semaphore_mem>>) src(%dma_wait3A_205 : memref<100000x128xf32, #tpu.memory_space<hbm>>) dst(%arg12 : memref<80x128xf32, #tpu.memory_space<vmem>>)
      %mul3A_206 = arith.constant 80 : i32
      %mul3A_207 = arith.muli %add3A_199, %mul3A_206 : i32
      %rem3A_208 = arith.constant 200 : i32
      %rem3A_209 = arith.remsi %mul3A_207, %rem3A_208 : i32
      %mul3A_210 = arith.constant 128 : i32
      %mul3A_211 = arith.muli %rem3A_209, %mul3A_210 : i32
      %parallel_loop3A_212 = arith.constant 0 : i32
      %parallel_loop3A_213 = arith.constant 80 : i32
      %parallel_loop3A_214 = arith.constant 1 : i32
      scf.for %parallel_loop3A_236 = %parallel_loop3A_212 to %parallel_loop3A_213 step %parallel_loop3A_214  : i32 {
        %parallel_loop3A_237 = arith.constant 128 : i32
        %parallel_loop3A_238 = arith.muli %parallel_loop3A_236, %parallel_loop3A_237 : i32
        %parallel_loop3A_239 = arith.addi %mul3A_211, %parallel_loop3A_238 : i32
        %parallel_loop3A_240 = arith.constant 0 : i32
        %parallel_loop3A_241 = arith.addi %parallel_loop3A_239, %parallel_loop3A_240 : i32
        %parallel_loop3A_242 = arith.index_cast %parallel_loop3A_241 : i32 to index
        %parallel_loop3A_243 = tpu.vector_load %arg7[%parallel_loop3A_242] {strides = array<i32>} : memref<30720xf32, #tpu.memory_space<vmem>>, vector<16xf32>,
        %parallel_loop3A_244 = vector.shape_cast %parallel_loop3A_243 : vector<16xf32> to vector<16xf32>
        %parallel_loop3A_245 = arith.index_cast %parallel_loop3A_236 : i32 to index
        %parallel_loop3A_246 = arith.constant 0 : index
        %parallel_loop3A_247 = tpu.vector_load %arg12[%parallel_loop3A_245, %parallel_loop3A_246] {strides = array<i32>} : memref<80x128xf32, #tpu.memory_space<vmem>>, vector<1x16xf32>,
        %parallel_loop3A_248 = vector.shape_cast %parallel_loop3A_247 : vector<1x16xf32> to vector<16xf32>
        %parallel_loop3A_249 = vector.shape_cast %parallel_loop3A_244 : vector<16xf32> to vector<1x16xf32>
        tpu.vector_store %arg12[%parallel_loop3A_245, %parallel_loop3A_246], %parallel_loop3A_249 {add = true, strides = array<i32>} : memref<80x128xf32, #tpu.memory_space<vmem>>, vector<1x16xf32>,
        %parallel_loop3A_250 = arith.constant 16 : i32
        %parallel_loop3A_251 = arith.addi %parallel_loop3A_239, %parallel_loop3A_250 : i32
        %parallel_loop3A_252 = arith.index_cast %parallel_loop3A_251 : i32 to index
        %parallel_loop3A_253 = tpu.vector_load %arg7[%parallel_loop3A_252] {strides = array<i32>} : memref<30720xf32, #tpu.memory_space<vmem>>, vector<16xf32>,
        %parallel_loop3A_254 = vector.shape_cast %parallel_loop3A_253 : vector<16xf32> to vector<16xf32>
        %parallel_loop3A_255 = arith.index_cast %parallel_loop3A_236 : i32 to index
        %parallel_loop3A_256 = arith.constant 16 : index
        %parallel_loop3A_257 = tpu.vector_load %arg12[%parallel_loop3A_255, %parallel_loop3A_256] {strides = array<i32>} : memref<80x128xf32, #tpu.memory_space<vmem>>, vector<1x16xf32>,
        %parallel_loop3A_258 = vector.shape_cast %parallel_loop3A_257 : vector<1x16xf32> to vector<16xf32>
        %parallel_loop3A_259 = vector.shape_cast %parallel_loop3A_254 : vector<16xf32> to vector<1x16xf32>
        tpu.vector_store %arg12[%parallel_loop3A_255, %parallel_loop3A_256], %parallel_loop3A_259 {add = true, strides = array<i32>} : memref<80x128xf32, #tpu.memory_space<vmem>>, vector<1x16xf32>,
        %parallel_loop3A_260 = arith.constant 32 : i32
        %parallel_loop3A_261 = arith.addi %parallel_loop3A_239, %parallel_loop3A_260 : i32
        %parallel_loop3A_262 = arith.index_cast %parallel_loop3A_261 : i32 to index
        %parallel_loop3A_263 = tpu.vector_load %arg7[%parallel_loop3A_262] {strides = array<i32>} : memref<30720xf32, #tpu.memory_space<vmem>>, vector<16xf32>,
        %parallel_loop3A_264 = vector.shape_cast %parallel_loop3A_263 : vector<16xf32> to vector<16xf32>
        %parallel_loop3A_265 = arith.index_cast %parallel_loop3A_236 : i32 to index
        %parallel_loop3A_266 = arith.constant 32 : index
        %parallel_loop3A_267 = tpu.vector_load %arg12[%parallel_loop3A_265, %parallel_loop3A_266] {strides = array<i32>} : memref<80x128xf32, #tpu.memory_space<vmem>>, vector<1x16xf32>,
        %parallel_loop3A_268 = vector.shape_cast %parallel_loop3A_267 : vector<1x16xf32> to vector<16xf32>
        %parallel_loop3A_269 = vector.shape_cast %parallel_loop3A_264 : vector<16xf32> to vector<1x16xf32>
        tpu.vector_store %arg12[%parallel_loop3A_265, %parallel_loop3A_266], %parallel_loop3A_269 {add = true, strides = array<i32>} : memref<80x128xf32, #tpu.memory_space<vmem>>, vector<1x16xf32>,
        %parallel_loop3A_270 = arith.constant 48 : i32
        %parallel_loop3A_271 = arith.addi %parallel_loop3A_239, %parallel_loop3A_270 : i32
        %parallel_loop3A_272 = arith.index_cast %parallel_loop3A_271 : i32 to index
        %parallel_loop3A_273 = tpu.vector_load %arg7[%parallel_loop3A_272] {strides = array<i32>} : memref<30720xf32, #tpu.memory_space<vmem>>, vector<16xf32>,
        %parallel_loop3A_274 = vector.shape_cast %parallel_loop3A_273 : vector<16xf32> to vector<16xf32>
        %parallel_loop3A_275 = arith.index_cast %parallel_loop3A_236 : i32 to index
        %parallel_loop3A_276 = arith.constant 48 : index
        %parallel_loop3A_277 = tpu.vector_load %arg12[%parallel_loop3A_275, %parallel_loop3A_276] {strides = array<i32>} : memref<80x128xf32, #tpu.memory_space<vmem>>, vector<1x16xf32>,
        %parallel_loop3A_278 = vector.shape_cast %parallel_loop3A_277 : vector<1x16xf32> to vector<16xf32>
        %parallel_loop3A_279 = vector.shape_cast %parallel_loop3A_274 : vector<16xf32> to vector<1x16xf32>
        tpu.vector_store %arg12[%parallel_loop3A_275, %parallel_loop3A_276], %parallel_loop3A_279 {add = true, strides = array<i32>} : memref<80x128xf32, #tpu.memory_space<vmem>>, vector<1x16xf32>,
        %parallel_loop3A_280 = arith.constant 64 : i32
        %parallel_loop3A_281 = arith.addi %parallel_loop3A_239, %parallel_loop3A_280 : i32
        %parallel_loop3A_282 = arith.index_cast %parallel_loop3A_281 : i32 to index
        %parallel_loop3A_283 = tpu.vector_load %arg7[%parallel_loop3A_282] {strides = array<i32>} : memref<30720xf32, #tpu.memory_space<vmem>>, vector<16xf32>,
        %parallel_loop3A_284 = vector.shape_cast %parallel_loop3A_283 : vector<16xf32> to vector<16xf32>
        %parallel_loop3A_285 = arith.index_cast %parallel_loop3A_236 : i32 to index
        %parallel_loop3A_286 = arith.constant 64 : index
        %parallel_loop3A_287 = tpu.vector_load %arg12[%parallel_loop3A_285, %parallel_loop3A_286] {strides = array<i32>} : memref<80x128xf32, #tpu.memory_space<vmem>>, vector<1x16xf32>,
        %parallel_loop3A_288 = vector.shape_cast %parallel_loop3A_287 : vector<1x16xf32> to vector<16xf32>
        %parallel_loop3A_289 = vector.shape_cast %parallel_loop3A_284 : vector<16xf32> to vector<1x16xf32>
        tpu.vector_store %arg12[%parallel_loop3A_285, %parallel_loop3A_286], %parallel_loop3A_289 {add = true, strides = array<i32>} : memref<80x128xf32, #tpu.memory_space<vmem>>, vector<1x16xf32>,
        %parallel_loop3A_290 = arith.constant 80 : i32
        %parallel_loop3A_291 = arith.addi %parallel_loop3A_239, %parallel_loop3A_290 : i32
        %parallel_loop3A_292 = arith.index_cast %parallel_loop3A_291 : i32 to index
        %parallel_loop3A_293 = tpu.vector_load %arg7[%parallel_loop3A_292] {strides = array<i32>} : memref<30720xf32, #tpu.memory_space<vmem>>, vector<16xf32>,
        %parallel_loop3A_294 = vector.shape_cast %parallel_loop3A_293 : vector<16xf32> to vector<16xf32>
        %parallel_loop3A_295 = arith.index_cast %parallel_loop3A_236 : i32 to index
        %parallel_loop3A_296 = arith.constant 80 : index
        %parallel_loop3A_297 = tpu.vector_load %arg12[%parallel_loop3A_295, %parallel_loop3A_296] {strides = array<i32>} : memref<80x128xf32, #tpu.memory_space<vmem>>, vector<1x16xf32>,
        %parallel_loop3A_298 = vector.shape_cast %parallel_loop3A_297 : vector<1x16xf32> to vector<16xf32>
        %parallel_loop3A_299 = vector.shape_cast %parallel_loop3A_294 : vector<16xf32> to vector<1x16xf32>
        tpu.vector_store %arg12[%parallel_loop3A_295, %parallel_loop3A_296], %parallel_loop3A_299 {add = true, strides = array<i32>} : memref<80x128xf32, #tpu.memory_space<vmem>>, vector<1x16xf32>,
        %parallel_loop3A_300 = arith.constant 96 : i32
        %parallel_loop3A_301 = arith.addi %parallel_loop3A_239, %parallel_loop3A_300 : i32
        %parallel_loop3A_302 = arith.index_cast %parallel_loop3A_301 : i32 to index
        %parallel_loop3A_303 = tpu.vector_load %arg7[%parallel_loop3A_302] {strides = array<i32>} : memref<30720xf32, #tpu.memory_space<vmem>>, vector<16xf32>,
        %parallel_loop3A_304 = vector.shape_cast %parallel_loop3A_303 : vector<16xf32> to vector<16xf32>
        %parallel_loop3A_305 = arith.index_cast %parallel_loop3A_236 : i32 to index
        %parallel_loop3A_306 = arith.constant 96 : index
        %parallel_loop3A_307 = tpu.vector_load %arg12[%parallel_loop3A_305, %parallel_loop3A_306] {strides = array<i32>} : memref<80x128xf32, #tpu.memory_space<vmem>>, vector<1x16xf32>,
        %parallel_loop3A_308 = vector.shape_cast %parallel_loop3A_307 : vector<1x16xf32> to vector<16xf32>
        %parallel_loop3A_309 = vector.shape_cast %parallel_loop3A_304 : vector<16xf32> to vector<1x16xf32>
        tpu.vector_store %arg12[%parallel_loop3A_305, %parallel_loop3A_306], %parallel_loop3A_309 {add = true, strides = array<i32>} : memref<80x128xf32, #tpu.memory_space<vmem>>, vector<1x16xf32>,
        %parallel_loop3A_310 = arith.constant 112 : i32
        %parallel_loop3A_311 = arith.addi %parallel_loop3A_239, %parallel_loop3A_310 : i32
        %parallel_loop3A_312 = arith.index_cast %parallel_loop3A_311 : i32 to index
        %parallel_loop3A_313 = tpu.vector_load %arg7[%parallel_loop3A_312] {strides = array<i32>} : memref<30720xf32, #tpu.memory_space<vmem>>, vector<16xf32>,
        %parallel_loop3A_314 = vector.shape_cast %parallel_loop3A_313 : vector<16xf32> to vector<16xf32>
        %parallel_loop3A_315 = arith.index_cast %parallel_loop3A_236 : i32 to index
        %parallel_loop3A_316 = arith.constant 112 : index
        %parallel_loop3A_317 = tpu.vector_load %arg12[%parallel_loop3A_315, %parallel_loop3A_316] {strides = array<i32>} : memref<80x128xf32, #tpu.memory_space<vmem>>, vector<1x16xf32>,
        %parallel_loop3A_318 = vector.shape_cast %parallel_loop3A_317 : vector<1x16xf32> to vector<16xf32>
        %parallel_loop3A_319 = vector.shape_cast %parallel_loop3A_314 : vector<16xf32> to vector<1x16xf32>
        tpu.vector_store %arg12[%parallel_loop3A_315, %parallel_loop3A_316], %parallel_loop3A_319 {add = true, strides = array<i32>} : memref<80x128xf32, #tpu.memory_space<vmem>>, vector<1x16xf32>,
      } {sc.loop_unroll_factor = 4 : i64, sc.parallel_access}
      %mul3A_215 = arith.constant 80 : i32
      %mul3A_216 = arith.muli %add3A_199, %mul3A_215 : i32
      %add3A_217 = arith.addi %mul3A_2, %mul3A_216 : i32
      %dma_start3A_218 = arith.constant 0 : i32
      %dma_start3A_219 = tpu.memref_slice %arg5[%add3A_217, %dma_start3A_218] : memref<819200x128xf32, #tpu.memory_space<hbm>> -> memref<80x128xf32, #tpu.memory_space<hbm>>
      %dma_start3A_220 = arith.constant 0 : i32
      %dma_start3A_221 = tpu.memref_slice %arg5[%add3A_217, %dma_start3A_220] : memref<819200x128xf32, #tpu.memory_space<hbm>> -> memref<80x128xf32, #tpu.memory_space<hbm>>
      tpu.enqueue_dma source(%arg12 : memref<80x128xf32, #tpu.memory_space<vmem>>) target(%dma_start3A_221 : memref<80x128xf32, #tpu.memory_space<hbm>>) target_semaphore(%arg22 : memref<!tpu.dma_semaphore, #tpu.memory_space<semaphore_mem>>)
      %sub3A_222 = arith.constant 2 : i32
      %sub3A_223 = arith.subi %add3A_199, %sub3A_222 : i32
      %mul3A_224 = arith.constant 80 : i32
      %mul3A_225 = arith.muli %sub3A_223, %mul3A_224 : i32
      %add3A_226 = arith.addi %mul3A_2, %mul3A_225 : i32
      %dma_wait3A_227 = arith.constant 0 : i32
      %dma_wait3A_228 = tpu.memref_slice %arg5[%add3A_226, %dma_wait3A_227] : memref<819200x128xf32, #tpu.memory_space<hbm>> -> memref<80x128xf32, #tpu.memory_space<hbm>>
      %dma_wait3A_229 = arith.constant 0 : i32
      %dma_wait3A_230 = tpu.memref_slice %arg5[%add3A_226, %dma_wait3A_229] : memref<819200x128xf32, #tpu.memory_space<hbm>> -> memref<80x128xf32, #tpu.memory_space<hbm>>
      tpu.wait_dma2 semaphore(%arg20 : memref<!tpu.dma_semaphore, #tpu.memory_space<semaphore_mem>>) src(%arg10 : memref<80x128xf32, #tpu.memory_space<vmem>>) dst(%dma_wait3A_230 : memref<80x128xf32, #tpu.memory_space<hbm>>)
      %lt3A_231 = arith.constant 63 : i32
      %lt3A_232 = arith.cmpi slt, %add3A_44, %lt3A_231 : i32
      %convert_element_type3A_233 = arith.extui %lt3A_232 : i1 to i32
      %cond3A_234 = arith.constant 0 : i32
      %cond3A_235 = arith.cmpi ne, %convert_element_type3A_233, %cond3A_234 : i32
      scf.if %cond3A_235 {
        %add3A_236 = arith.constant 3 : i32
        %add3A_237 = arith.addi %add3A_199, %add3A_236 : i32
        %dma_start3A_238 = arith.constant 0 : i32
        %dma_start3A_239 = tpu.memref_slice %arg6[%add3A_237, %dma_start3A_238] : memref<320x80xi32, #tpu.memory_space<vmem>> -> memref<1x80xi32, #tpu.memory_space<vmem>>
        %dma_start3A_240 = tpu.memref_squeeze %dma_start3A_239 : memref<1x80xi32, #tpu.memory_space<vmem>> -> memref<80xi32, #tpu.memory_space<vmem>>
        %dma_start3A_241 = arith.constant 0 : i32
        %dma_start3A_242 = arith.constant 0 : i32
        %dma_start3A_243 = tpu.memref_slice %arg4[%dma_start3A_241, %dma_start3A_242] : memref<100000x128xf32, #tpu.memory_space<hbm>> -> memref<100000x128xf32, #tpu.memory_space<hbm>>
        tpu.enqueue_indirect_dma source(%dma_start3A_243 : memref<100000x128xf32, #tpu.memory_space<hbm>>) target(%arg10 : memref<80x128xf32, #tpu.memory_space<vmem>>) offsets(%dma_start3A_240 : memref<80xi32, #tpu.memory_space<vmem>>) semaphore(%arg15 : memref<!tpu.dma_semaphore, #tpu.memory_space<semaphore_mem>>)
      } else {
      }
    }
    %scan3A_28 = arith.constant 64 : i32
    %add3A_29 = arith.constant 25440 : i32
    %add3A_30 = arith.addi %mul3A_2, %add3A_29 : i32
    %dma_wait3A = arith.constant 0 : i32
    %dma_wait3A_31 = tpu.memref_slice %arg5[%add3A_30, %dma_wait3A] : memref<819200x128xf32, #tpu.memory_space<hbm>> -> memref<80x128xf32, #tpu.memory_space<hbm>>
    %dma_wait3A_32 = arith.constant 0 : i32
    %dma_wait3A_33 = tpu.memref_slice %arg5[%add3A_30, %dma_wait3A_32] : memref<819200x128xf32, #tpu.memory_space<hbm>> -> memref<80x128xf32, #tpu.memory_space<hbm>>
    tpu.wait_dma2 semaphore(%arg21 : memref<!tpu.dma_semaphore, #tpu.memory_space<semaphore_mem>>) src(%arg11 : memref<80x128xf32, #tpu.memory_space<vmem>>) dst(%dma_wait3A_33 : memref<80x128xf32, #tpu.memory_space<hbm>>)
    %add3A_34 = arith.constant 25520 : i32
    %add3A_35 = arith.addi %mul3A_2, %add3A_34 : i32
    %dma_wait3A_36 = arith.constant 0 : i32
    %dma_wait3A_37 = tpu.memref_slice %arg5[%add3A_35, %dma_wait3A_36] : memref<819200x128xf32, #tpu.memory_space<hbm>> -> memref<80x128xf32, #tpu.memory_space<hbm>>
    %dma_wait3A_38 = arith.constant 0 : i32
    %dma_wait3A_39 = tpu.memref_slice %arg5[%add3A_35, %dma_wait3A_38] : memref<819200x128xf32, #tpu.memory_space<hbm>> -> memref<80x128xf32, #tpu.memory_space<hbm>>
    tpu.wait_dma2 semaphore(%arg22 : memref<!tpu.dma_semaphore, #tpu.memory_space<semaphore_mem>>) src(%arg12 : memref<80x128xf32, #tpu.memory_space<vmem>>) dst(%dma_wait3A_39 : memref<80x128xf32, #tpu.memory_space<hbm>>)
    return
  }
}

</mosaic_0001>

<sc_bundles>
// kernel: kernel.3.cloned.1.call-start
scs
__scs_entry_jumppad:
0x0: {  	(pc) =	sbr.rel $0x88, $3  }
0x1: {  	(tag) =	ssettag $0x0;
	lr =	simm.s32 $0x1  }
0x2: {  	[smem:$0x3F9F] =	sst lr;
	_ =	strace $0xD0000000  }
0x3: {  	_ = 	snop  }
0x4: {  	_ = 	snop  }
0x5: {  	_ = 	snop  }
0x6: {  	_ = 	snop  }
0x7: {  	_ = 	snop  }
__scs_overlays_trampoline_lowered:
0x8: {  	[smem:$0x3FAE] =	sst s0  }
0x9: {  	[smem:$0x3FAF] =	sst s1  }
0xa: {  	[smem:$0x3FB0] =	sst s2  }
0xb: {  	[smem:$0x3FB1] =	sst s3  }
0xc: {  	[smem:$0x3FB2] =	sst s4  }
0xd: {  	[smem:$0x3FB3] =	sst s5  }
0xe: {  	[smem:$0x3FB4] =	sst s6  }
0xf: {  	[smem:$0x3FB5] =	sst s7  }
0x10: {  	[smem:$0x3FB6] =	sst s8  }
0x11: {  	[smem:$0x3FB7] =	sst s9;
	s0 =	simm.s32 @!p0 $0x0  }
0x12: {  	s1 =	sld [smem:$0x3F9D];
	s0 =	simm.s32 @p0 $0x1  }
0x13: {  	[smem:$0x3FB8] =	sst s0;
	s0 =	simm.s32 @!p1 $0x0  }
0x14: {  	s2 =	sld [smem:$0x3F9C];
	s0 =	simm.s32 @p1 $0x1  }
0x15: {  	[smem:$0x3FB9] =	sst s0;
	s0 =	simm.s32 @!p2 $0x0  }
0x16: {  	s3 =	sld [smem:$0x3FDB];
	s0 =	simm.s32 @p2 $0x1  }
0x17: {  	s4 =	simm.s32 $0x1BF5;
	[smem:$0x3FBB] =	sst s0  }
0x18: {  	s0 =	sld [smem:$0x3F9E];
	_ =	swait.ge [sflag:s4], $0x0  }
0x19: {  	s7 =	sld [smem:$0x3F9F]  }
0x1a: {  	s8 =	sadd.s32 $0xFFFFE003, lr  }
0x1b: {  	s9 =	sadd.s32 $0xFFFFFEF7, lr;
	s5 =	simm.s32 $0xFFFFFFFF;
	p2 =	slt.u32 s8, $0xFFFFF086  }
0x1c: {  	p1 =	slt.u32 s9, $0xF7A;
	s5 =	simm.s32 @!p2 $0x0  }
0x1d: {  	s5 =	simm.s32 @p1 $0x1;
	p0 =	seq.s32 s7, s2  }
0x1e: {  	s7 =	smul.u32 @!p0 $0xF7A, s2;
	p2 =	seq.s32 @!p0 s5, $0x0  }
0x1f: {  	s9 =	smul.u32 $0xF7A, s1;
	s8 =	simm.s32 @!p0 $0x1BF5;
	p2 =	por !p2, p0  }
0x20: {  	[sflag:s8] =	ssyncset.s32 @!p0 $0xFFFFF086;
	s6 =	sadd.s32 @!p0 s3, s7;
	s7 =	simm.s32 @!p0 $0x108  }
0x21: {  	s3 =	sadd.s32 s3, s9;
	s6 =	sadd.s32 @!p0 $0x88, s6;
	s7 =	simm.s32 @p2 $0x1082  }
0x22: {  	[simem:s7], [sflag:s8] =	dma.local @!p0 [hbm:s6], $0xF7A  }
0x23: {  	s9 =	sor.u32 $0xD0000000, s2;
	s6 =	simm.s32 $0x108;
	_ =	swait.ge @!p0 [sflag:s8], $0x0  }
0x24: {  	s3 =	sadd.s32 $0x88, s3;
	s6 =	simm.s32 @!p1 $0x1082;
	[sflag:s4] =	ssyncset.s32 $0xFFFFF086  }
0x25: {  	[simem:s6], [sflag:s4] =	dma.local [hbm:s3], $0xF7A  }
0x26: {  	[smem:$0x3F9F] =	sst s1;
	(tag) =	ssettag s2;
	_ =	strace s9  }
0x27: {  	s1 =	sld [smem:$0x3FAF]  }
0x28: {  	s2 =	sld [smem:$0x3FB0]  }
0x29: {  	s4 =	sld [smem:$0x3FB2]  }
0x2a: {  	p0 =	seq.s32 s5, $0x0;
	s5 =	sld [smem:$0x3FB3]  }
0x2b: {  	s6 =	sld [smem:$0x3FB4]  }
0x2c: {  	s7 =	sld [smem:$0x3FB5]  }
0x2d: {  	s3 =	simm.s32 $0x108;
	s8 =	sld [smem:$0x3FB6]  }
0x2e: {  	s3 =	simm.s32 @!p0 $0x1082;
	s9 =	sld [smem:$0x3FB7]  }
0x2f: {  	lr =	sadd.s32 s0, s3;
	s0 =	sld [smem:$0x3FAE]  }
0x30: {  	s3 =	sld [smem:$0x3FB1]  }
0x31: {  	[smem:$0x3FBA] =	sst s10  }
0x32: {  	s10 =	sld [smem:$0x3FB8];
	_ =	sdelay $0x3  }
0x33: {  	p0 =	seq.s32 s10, $0x1;
	s10 =	sld [smem:$0x3FBA];
	_ =	sdelay $0x3  }
0x34: {  	[smem:$0x3FBA] =	sst s10  }
0x35: {  	s10 =	sld [smem:$0x3FB9];
	_ =	sdelay $0x3  }
0x36: {  	p1 =	seq.s32 s10, $0x1;
	s10 =	sld [smem:$0x3FBA];
	_ =	sdelay $0x3  }
0x37: {  	[smem:$0x3FBA] =	sst s10  }
0x38: {  	s10 =	sld [smem:$0x3FBB]  }
0x39: {  	_ = 	snop;
	(pc) =	sbr.ind lr, $3  }
0x3a: {  	_ = 	snop  }
0x3b: {  	_ = 	snop  }
0x3c: {  	p2 =	seq.s32 s10, $0x1;
	s10 =	sld [smem:$0x3FBA]  }
0x3d: {  	_ =	shalt  }
0x3e: {  	_ =	shalt  }
0x3f: {  	_ =	shalt  }
0x40: {  	_ =	shalt  }
0x41: {  	_ =	shalt  }
0x42: {  	_ =	shalt  }
0x43: {  	_ =	shalt  }
0x44: {  	_ =	shalt  }
0x45: {  	_ =	shalt  }
0x46: {  	_ =	shalt  }
0x47: {  	_ =	shalt  }
0x48: {  	_ =	shalt  }
0x49: {  	_ =	shalt  }
0x4a: {  	_ =	shalt  }
0x4b: {  	_ =	shalt  }
0x4c: {  	_ =	shalt  }
0x4d: {  	_ =	shalt  }
0x4e: {  	_ =	shalt  }
0x4f: {  	_ =	shalt  }
0x50: {  	_ =	shalt  }
0x51: {  	_ =	shalt  }
0x52: {  	_ =	shalt  }
0x53: {  	_ =	shalt  }
0x54: {  	_ =	shalt  }
0x55: {  	_ =	shalt  }
0x56: {  	_ =	shalt  }
0x57: {  	_ =	shalt  }
0x58: {  	_ =	shalt  }
0x59: {  	_ =	shalt  }
0x5a: {  	_ =	shalt  }
0x5b: {  	_ =	shalt  }
0x5c: {  	_ =	shalt  }
0x5d: {  	_ =	shalt  }
0x5e: {  	_ =	shalt  }
0x5f: {  	_ =	shalt  }
0x60: {  	_ =	shalt  }
0x61: {  	_ =	shalt  }
0x62: {  	_ =	shalt  }
0x63: {  	_ =	shalt  }
0x64: {  	_ =	shalt  }
0x65: {  	_ =	shalt  }
0x66: {  	_ =	shalt  }
0x67: {  	_ =	shalt  }
0x68: {  	_ =	shalt  }
0x69: {  	_ =	shalt  }
0x6a: {  	_ =	shalt  }
0x6b: {  	_ =	shalt  }
0x6c: {  	_ =	shalt  }
0x6d: {  	_ =	shalt  }
0x6e: {  	_ =	shalt  }
0x6f: {  	_ =	shalt  }
0x70: {  	_ =	shalt  }
0x71: {  	_ =	shalt  }
0x72: {  	_ =	shalt  }
0x73: {  	_ =	shalt  }
0x74: {  	_ =	shalt  }
0x75: {  	_ =	shalt  }
0x76: {  	_ =	shalt  }
0x77: {  	_ =	shalt  }
0x78: {  	_ =	shalt  }
0x79: {  	_ =	shalt  }
0x7a: {  	_ =	shalt  }
0x7b: {  	_ =	shalt  }
0x7c: {  	_ =	shalt  }
0x7d: {  	_ =	shalt  }
0x7e: {  	_ =	shalt  }
0x7f: {  	_ =	shalt  }
0x80: {  	_ =	shalt  }
0x81: {  	_ =	shalt  }
0x82: {  	_ =	shalt  }
0x83: {  	_ =	shalt  }
0x84: {  	_ =	shalt  }
0x85: {  	_ =	shalt  }
0x86: {  	_ =	shalt  }
0x87: {  	_ =	shalt  }
.Lfunc_end0:
.L_simem_size_0:
called_computation_lowered:
.L_overlay_start_0:
0x88: {  	s2 =	sld [smem:$0x3FD9]  }
0x89: {  	s3 =	sld [smem:$0x3FFE];
	_ =	sdelay $0x1  }
0x8a: {  	s1 =	srdreg.scid  }
0x8b: {  	s0 =	sand.u32 $0x1, s1  }
0x8c: {  	s17 =	sshll.u32 s0, $0xA;
	s2 =	sadd.s32 s3, s2  }
0x8d: {  	s2 =	sadd.s32 s2, s17  }
0x8e: {  	[smem:$0x3FC6] =	sst s2  }
0x8f: {  	_ = 	snop  }
0x90: {  	s2 =	sld [smem:$0x3FC8]  }
0x91: {  	s18 =	sld [smem:$0x3FD0];
	(tm) =	ssettm $0x1  }
0x92: {  	s4 =	sld [smem:$0x3FFB];
	_ =	sdelay $0x3  }
0x93: {  	_ =	strace s4  }
0x94: {  	s4 =	sld [smem:$0x3FFC];
	_ =	sdelay $0x3  }
0x95: {  	_ =	strace s4  }
0x96: {  	s4 =	sld [smem:$0x3FFD];
	_ =	sdelay $0x3  }
0x97: {  	_ =	strace s4  }
0x98: {  	_ =	strace $0x8FFFFFFF  }
0x99: {  	s19 =	sld [smem:$0x3FDB];
	_ =	sdelay $0x1  }
0x9a: {  	s5 =	simm.s32 $_scs_section_size  }
0x9b: {  	s6 =	simm.s32 $_size__tile_overlayer_lowered;
	s7 =	simm.s32 $_tile_overlayer_lowered  }
0x9c: {  	s22 =	simm.s32 $0x1BFF;
	s21 =	sshll.u32 s7, $0x1;
	s4 =	sadd.s32 s5, s19  }
0x9d: {  	s8 =	simm.s32 $0x0;
	s20 =	sshll.u32 s6, $0x1;
	s6 =	sadd.s32 s21, s4  }
0x9e: {  	[timem:s8], [sflag:s22] =	dma.local [hbm:s6], s20  }
0x9f: {  	_ =	swait.ge [sflag:s22], s20  }
0xa0: {  	s5 =	ssub.s32 $0x0, s20;
	[sflag:s22] =	ssyncset.done $0x0  }
0xa1: {  	[sflag:s22] =	ssyncadd.s32 s5;
	_ =	sdelay $0x1  }
0xa2: {  	s23 =	simm.s32 $0x1B8B  }
0xa3: {  	_ =	swait.ge [sflag:s23], $0x1  }
0xa4: {  	[sflag:s23] =	ssyncset.done $0x0  }
0xa5: {  	s25 =	simm.s32 $0x1B8E;
	s24 =	sld [smem:$0x3FFE];
	[sflag:s23] =	ssyncadd.s32 $0xFFFFFFFF  }
0xa6: {  	s26 =	simm.s32 $execute0_lowered;
	[smem:$0x3FD2] =	sst s25  }
0xa7: {  	s6 =	sshll.u32 s26, $0x1;
	_ =	strace $0x80000046;
	[dreg:$0x1] =	wrdreg $0xFFFFFFFF  }
0xa8: {  	s28 =	simm.s32 $_size_execute0_lowered;
	s4 =	sadd.s32 s4, s6;
	[dreg:$0x0] =	wrdreg $0x0  }
0xa9: {  	s6 =	sshll.u32 s28, $0x1;
	[dreg:$0x2] =	wrdreg s4  }
0xaa: {  	[dreg:$0x3] =	wrdreg s6  }
0xab: {  	[dreg:$0x4] =	wrdreg $0xC0  }
0xac: {  	_ =	task [dreg:s8], $0x5FFFF  }
0xad: {  	[dreg:$0x1] =	wrdreg $0xFFFFFFFF  }
0xae: {  	[dreg:$0x0] =	wrdreg $0x60  }
0xaf: {  	[dreg:$0x2] =	wrdreg s24  }
0xb0: {  	[dreg:$0x3] =	wrdreg s2  }
0xb1: {  	[dreg:$0x4] =	wrdreg s18  }
0xb2: {  	[dreg:$0x5] =	wrdreg $0x9  }
0xb3: {  	_ =	task.clear_ibuf [dreg:s8], $0x6FFFF;
	_ =	strace $0x90000046  }
0xb4: {  	s29 =	simm.s32 $0x9;
	_ =	strace $0x80000048  }
0xb5: {  	_ =	swait.ge [sflag:s29], $0x1  }
0xb6: {  	[sflag:s29] =	ssyncadd.s32 $0xFFFFFFFF  }
0xb7: {  	_ =	strace $0x90000048  }
0xb8: {  	_ =	sfence  }
0xb9: {  	s30 =	sld [smem:$0x0];
	_ =	sdelay $0x2  }
0xba: {  	s31 =	sshll.u32 s1, $0xD;
	s1 =	sshrl.u32 s1, $0x2  }
0xbb: {  	s3 =	sand.u32 $0x4000, s31;
	s1 =	sadd.s32 s1, s30  }
0xbc: {  	s0 =	sor.u32 s3, s0;
	s1 =	sshll.u32 s1, $0x11  }
0xbd: {  	s0 =	sor.u32 s1, s0  }
0xbe: {  	s0 =	sadd.s32 $0x8F2B, s0  }
0xbf: {  	[sflag:s0] =	ssyncadd.remote.s32 $0x1  }
0xc0: {  	_ =	sfence.sel $0xFFFF  }
0xc1: {  	[dreg:$0x0] =	wrdreg $0xFFFFFFFF;
	(pc) =	sbr.abs _section_cstart, $3  }
0xc2: {  	[dreg:$0x1] =	wrdreg $0xFFFFFFFF  }
0xc3: {  	_ =	task.clear_ibuf [dreg:s8], $0x2FFFF;
	_ =	strace $0x9FFFFFFF  }
0xc4: {  	(tm) =	ssettm $0x7FFFFFFF  }
0xc5: {  	_ =	shalt  }
tec
execute0_lowered:
.L_overlay_start_1:
0x0: {  	(tag) =	ssettag $0x1  }
0x1: {  	s6 =	rddreg [dreg:$0x0]  }
0x2: {  	s0 =	srdreg.scid;
	s3 =	rddreg [dreg:$0x1]  }
0x3: {  	s1 =	stileid.u32;
	s4 =	rddreg [dreg:$0x2];
	s5 =	simm.s32 $0x0  }
0x4: {  	s12 =	simm.s32 $0xB;
	s13 =	simm.s32 $0x50;
	s14 =	simm.s32 $0x11800  }
0x5: {  	s16 =	simm.s32 $0x14000;
	s18 =	simm.s32 $0x16800;
	s19 =	simm.s32 $0x1  }
0x6: {  	s20 =	simm.s32 $0x19000;
	s21 =	simm.s32 $0x2;
	s22 =	simm.s32 $0x1B800  }
0x7: {  	s23 =	simm.s32 $0x3;
	s24 =	simm.s32 $0x6;
	s25 =	simm.s32 $0x4  }
0x8: {  	s28 =	simm.s32 $0x5;
	s0 =	sand.u32 $0x1, s0;
	s1 =	sshll.u32 s1, $0x1  }
0x9: {  	s29 =	simm.s32 $0x8;
	s1 =	sor.u32 s0, s1;
	s0 =	ssub.s32 $0x2, s0  }
0xa: {  	s30 =	simm.s32 $0x9;
	s2 =	smul.u32 $0x1400, s1;
	s7 =	sshrl.u32 s0, $0x1  }
.Ltmp0:
0xb: {  	[smem:$0x7FF] =	sst s5;
	s0 =	ssub.s32 s0, s7;
	(pc) =	sbr.rel .LBB2_1-.Ltmp0, $4  }
0xc: {  	_ =	strace $0x80000047;
	s2 =	sadd.s32 s2, s6;
	s0 =	smax.u32 s0, $0x1  }
0xd: {  	s6 =	smul.u32 $0x6400, s1;
	s26 =	sadd.s32 $0x1000, s2;
	[dreg:$0x5] =	wrdreg s0  }
0xe: {  	s31 =	simm.s32 $0xA;
	s2 =	simm.s32 $0x0;
	[dreg:$0x4] =	wrdreg s26  }
0xf: {  	s9 =	sor.u32 $0x50, s6;
	s10 =	sor.u32 $0xA0, s6;
	s26 =	simm.s32 $0x7  }
.LBB2_14:
0x10: {  	_ =	swait.ge [sflag:s30], $0x2800  }
0x11: {  	[sflag:s30] =	ssyncset.done $0x0  }
0x12: {  	[sflag:s30] =	ssyncadd.s32 $0xFFFFD800  }
0x13: {  	_ =	swait.ge [sflag:s31], $0x2800  }
0x14: {  	s2 =	sadd.s32 $0x1, s2;
	s0 =	rddreg [dreg:$0x5]  }
0x15: {  	p0 =	sne.s32 s2, s0  }
.Ltmp1:
0x16: {  	_ = 	snop;
	(pc) =	sbr.rel @!p0 .LBB2_15-.Ltmp1, $3  }
0x17: {  	_ =	sdelay $0x1  }
0x18: {  	[sflag:s31] =	ssyncset.done $0x0  }
0x19: {  	[sflag:s31] =	ssyncadd.s32 $0xFFFFD800  }
.LBB2_1:
0x1a: {  	s0 =	rddreg [dreg:$0x0];
	s1 =	simm.s32 $0xA000  }
0x1b: {  	[tilespmem:s1], [sflag:$0xB] =	stream.linear.gather [hbm4b:s0+s5], $0x7800, $0x38;
	[tilespmem:$0x1E000] =	vst v63  }
0x1c: {  	_ =	swait.ge [sflag:s12], $0x7800  }
0x1d: {  	[sflag:s12] =	ssyncset.done $0x0  }
0x1e: {  	s11 =	rddreg [dreg:$0x4];
	[sflag:s12] =	ssyncadd.s32 $0xFFFF8800  }
0x1f: {  	[tilespmem:s5], [sflag:$0xB] =	stream.linear.gather [hbm4b:s11+s5], $0xA000, $0x38;
	[tilespmem:$0x1E000] =	vst v63  }
0x20: {  	_ =	swait.ge [sflag:s12], $0xA000  }
0x21: {  	[sflag:s12] =	ssyncset.done $0x0  }
0x22: {  	[sflag:s12] =	ssyncadd.s32 $0xFFFF6000  }
0x23: {  	[tilespmem:s14], [sflag:$0x1] =	stream.indirect.gather [hbm4b:s3+s13], $0x80, s5, s13, $0xb8;
	[tilespmem:$0x1E000] =	vst v63  }
0x24: {  	s15 =	simm.s32 $0x80  }
0x25: {  	[tilespmem:s16], [sflag:$0x2] =	stream.indirect.gather [hbm4b:s3+s13], $0x80, s15, s13, $0xb8;
	[tilespmem:$0x1E000] =	vst v63  }
0x26: {  	s17 =	simm.s32 $0x100;
	s0 =	simm.s32 $0x0  }
0x27: {  	[tilespmem:s18], [sflag:$0x3] =	stream.indirect.gather [hbm4b:s3+s13], $0x80, s17, s13, $0xb8;
	[tilespmem:$0x1E000] =	vst v63  }
.LBB2_2:
0x28: {  	_ =	swait.ge [sflag:s19], $0x2800  }
0x29: {  	[sflag:s19] =	ssyncset.done $0x0  }
0x2a: {  	s11 =	simm.s32 $0x0;
	[sflag:s19] =	ssyncadd.s32 $0xFFFFD800  }
0x2b: {  	v0 =	vld [tilespmem:s11+$0xA1F0]  }
0x2c: {  	v1 =	vld [tilespmem:s11+$0xA000]  }
0x2d: {  	v2 =	vld [tilespmem:s11+$0xA010]  }
0x2e: {  	v3 =	vld [tilespmem:s11+$0xA020]  }
0x2f: {  	v4 =	vld [tilespmem:s11+$0xA030]  }
0x30: {  	v5 =	vld [tilespmem:s11+$0xA040]  }
0x31: {  	v6 =	vld [tilespmem:s11+$0xA050]  }
0x32: {  	v7 =	vld [tilespmem:s11+$0xA060]  }
0x33: {  	v8 =	vld [tilespmem:s11+$0xA070]  }
0x34: {  	v9 =	vld [tilespmem:s11+$0xA080]  }
0x35: {  	v10 =	vld [tilespmem:s11+$0xA090]  }
0x36: {  	v11 =	vld [tilespmem:s11+$0xA0A0]  }
0x37: {  	v12 =	vld [tilespmem:s11+$0xA0B0]  }
0x38: {  	v13 =	vld [tilespmem:s11+$0xA0C0]  }
0x39: {  	v14 =	vld [tilespmem:s11+$0xA0D0]  }
0x3a: {  	v15 =	vld [tilespmem:s11+$0xA0E0]  }
0x3b: {  	v16 =	vld [tilespmem:s11+$0xA0F0]  }
0x3c: {  	v17 =	vld [tilespmem:s11+$0xA100]  }
0x3d: {  	v18 =	vld [tilespmem:s11+$0xA110]  }
0x3e: {  	v19 =	vld [tilespmem:s11+$0xA120]  }
0x3f: {  	v20 =	vld [tilespmem:s11+$0xA130]  }
0x40: {  	v21 =	vld [tilespmem:s11+$0xA140]  }
0x41: {  	v22 =	vld [tilespmem:s11+$0xA150]  }
0x42: {  	v23 =	vld [tilespmem:s11+$0xA160]  }
0x43: {  	v24 =	vld [tilespmem:s11+$0xA170]  }
0x44: {  	v25 =	vld [tilespmem:s11+$0xA180]  }
0x45: {  	v26 =	vld [tilespmem:s11+$0xA190]  }
0x46: {  	v27 =	vld [tilespmem:s11+$0xA1A0]  }
0x47: {  	v28 =	vld [tilespmem:s11+$0xA1B0]  }
0x48: {  	v29 =	vld [tilespmem:s11+$0xA1C0]  }
0x49: {  	v30 =	vld [tilespmem:s11+$0xA1D0]  }
0x4a: {  	[tilespmem:s11+$0x119F0] =	vst.add.f32.msk $0xffff, v0  }
0x4b: {  	v0 =	vld [tilespmem:s11+$0xA1E0]  }
0x4c: {  	[tilespmem:s11+$0x11800] =	vst.add.f32.msk $0xffff, v1  }
0x4d: {  	[tilespmem:s11+$0x11810] =	vst.add.f32.msk $0xffff, v2  }
0x4e: {  	[tilespmem:s11+$0x11820] =	vst.add.f32.msk $0xffff, v3  }
0x4f: {  	[tilespmem:s11+$0x11830] =	vst.add.f32.msk $0xffff, v4  }
0x50: {  	[tilespmem:s11+$0x11840] =	vst.add.f32.msk $0xffff, v5  }
0x51: {  	[tilespmem:s11+$0x11850] =	vst.add.f32.msk $0xffff, v6  }
0x52: {  	[tilespmem:s11+$0x11860] =	vst.add.f32.msk $0xffff, v7  }
0x53: {  	[tilespmem:s11+$0x11870] =	vst.add.f32.msk $0xffff, v8  }
0x54: {  	[tilespmem:s11+$0x11880] =	vst.add.f32.msk $0xffff, v9  }
0x55: {  	[tilespmem:s11+$0x11890] =	vst.add.f32.msk $0xffff, v10  }
0x56: {  	[tilespmem:s11+$0x118A0] =	vst.add.f32.msk $0xffff, v11  }
0x57: {  	[tilespmem:s11+$0x118B0] =	vst.add.f32.msk $0xffff, v12  }
0x58: {  	[tilespmem:s11+$0x118C0] =	vst.add.f32.msk $0xffff, v13  }
0x59: {  	[tilespmem:s11+$0x118D0] =	vst.add.f32.msk $0xffff, v14  }
0x5a: {  	[tilespmem:s11+$0x118E0] =	vst.add.f32.msk $0xffff, v15  }
0x5b: {  	[tilespmem:s11+$0x118F0] =	vst.add.f32.msk $0xffff, v16  }
0x5c: {  	[tilespmem:s11+$0x11900] =	vst.add.f32.msk $0xffff, v17  }
0x5d: {  	[tilespmem:s11+$0x11910] =	vst.add.f32.msk $0xffff, v18  }
0x5e: {  	[tilespmem:s11+$0x11920] =	vst.add.f32.msk $0xffff, v19  }
0x5f: {  	[tilespmem:s11+$0x11930] =	vst.add.f32.msk $0xffff, v20  }
0x60: {  	[tilespmem:s11+$0x11940] =	vst.add.f32.msk $0xffff, v21  }
0x61: {  	[tilespmem:s11+$0x11950] =	vst.add.f32.msk $0xffff, v22  }
0x62: {  	[tilespmem:s11+$0x11960] =	vst.add.f32.msk $0xffff, v23  }
0x63: {  	[tilespmem:s11+$0x11970] =	vst.add.f32.msk $0xffff, v24  }
0x64: {  	[tilespmem:s11+$0x11980] =	vst.add.f32.msk $0xffff, v25  }
0x65: {  	[tilespmem:s11+$0x11990] =	vst.add.f32.msk $0xffff, v26  }
0x66: {  	[tilespmem:s11+$0x119A0] =	vst.add.f32.msk $0xffff, v27  }
0x67: {  	[tilespmem:s11+$0x119B0] =	vst.add.f32.msk $0xffff, v28  }
0x68: {  	[tilespmem:s11+$0x119C0] =	vst.add.f32.msk $0xffff, v29  }
0x69: {  	s1 =	simm.s32 $0x0;
	s7 =	simm.s32 $0x800;
	[tilespmem:s11+$0x119D0] =	vst.add.f32.msk $0xffff, v30  }
.LBB2_3:
0x6a: {  	s1 =	sadd.s32 $0x4, s1;
	[tilespmem:s11+$0x119E0] =	vst.add.f32.msk $0xffff, v0;
	s11 =	sshra.s32 s7, $0x2  }
0x6b: {  	v0 =	vld [tilespmem:s11+$0xA1F0];
	p0 =	slt.u32 s1, $0x4C  }
0x6c: {  	v1 =	vld [tilespmem:s11+$0xA000]  }
0x6d: {  	v2 =	vld [tilespmem:s11+$0xA010]  }
0x6e: {  	v3 =	vld [tilespmem:s11+$0xA020]  }
0x6f: {  	v4 =	vld [tilespmem:s11+$0xA030]  }
0x70: {  	[tilespmem:s11+$0x119F0] =	vst.add.f32.msk $0xffff, v0  }
0x71: {  	v5 =	vld [tilespmem:s11+$0xA040]  }
0x72: {  	v6 =	vld [tilespmem:s11+$0xA050]  }
0x73: {  	v7 =	vld [tilespmem:s11+$0xA060]  }
0x74: {  	v8 =	vld [tilespmem:s11+$0xA070]  }
0x75: {  	v9 =	vld [tilespmem:s11+$0xA080]  }
0x76: {  	v10 =	vld [tilespmem:s11+$0xA090]  }
0x77: {  	v11 =	vld [tilespmem:s11+$0xA0A0]  }
0x78: {  	v12 =	vld [tilespmem:s11+$0xA0B0]  }
0x79: {  	v13 =	vld [tilespmem:s11+$0xA0C0]  }
0x7a: {  	v14 =	vld [tilespmem:s11+$0xA0D0]  }
0x7b: {  	v15 =	vld [tilespmem:s11+$0xA0E0]  }
0x7c: {  	v16 =	vld [tilespmem:s11+$0xA0F0]  }
0x7d: {  	v17 =	vld [tilespmem:s11+$0xA100]  }
0x7e: {  	v18 =	vld [tilespmem:s11+$0xA110]  }
0x7f: {  	v19 =	vld [tilespmem:s11+$0xA120]  }
0x80: {  	v20 =	vld [tilespmem:s11+$0xA130]  }
0x81: {  	v21 =	vld [tilespmem:s11+$0xA140]  }
0x82: {  	v22 =	vld [tilespmem:s11+$0xA150]  }
0x83: {  	v23 =	vld [tilespmem:s11+$0xA160]  }
0x84: {  	v24 =	vld [tilespmem:s11+$0xA170]  }
0x85: {  	v25 =	vld [tilespmem:s11+$0xA180]  }
0x86: {  	v26 =	vld [tilespmem:s11+$0xA190]  }
0x87: {  	v27 =	vld [tilespmem:s11+$0xA1A0]  }
0x88: {  	v28 =	vld [tilespmem:s11+$0xA1B0]  }
0x89: {  	v29 =	vld [tilespmem:s11+$0xA1C0]  }
0x8a: {  	v30 =	vld [tilespmem:s11+$0xA1D0]  }
0x8b: {  	v0 =	vld [tilespmem:s11+$0xA1E0]  }
0x8c: {  	[tilespmem:s11+$0x11800] =	vst.add.f32.msk $0xffff, v1  }
0x8d: {  	[tilespmem:s11+$0x11810] =	vst.add.f32.msk $0xffff, v2  }
0x8e: {  	[tilespmem:s11+$0x11820] =	vst.add.f32.msk $0xffff, v3  }
0x8f: {  	[tilespmem:s11+$0x11830] =	vst.add.f32.msk $0xffff, v4  }
0x90: {  	[tilespmem:s11+$0x11840] =	vst.add.f32.msk $0xffff, v5  }
0x91: {  	[tilespmem:s11+$0x11850] =	vst.add.f32.msk $0xffff, v6  }
0x92: {  	[tilespmem:s11+$0x11860] =	vst.add.f32.msk $0xffff, v7  }
0x93: {  	[tilespmem:s11+$0x11870] =	vst.add.f32.msk $0xffff, v8  }
0x94: {  	[tilespmem:s11+$0x11880] =	vst.add.f32.msk $0xffff, v9  }
0x95: {  	[tilespmem:s11+$0x11890] =	vst.add.f32.msk $0xffff, v10  }
0x96: {  	[tilespmem:s11+$0x118A0] =	vst.add.f32.msk $0xffff, v11  }
0x97: {  	[tilespmem:s11+$0x118B0] =	vst.add.f32.msk $0xffff, v12  }
0x98: {  	[tilespmem:s11+$0x118C0] =	vst.add.f32.msk $0xffff, v13  }
0x99: {  	[tilespmem:s11+$0x118D0] =	vst.add.f32.msk $0xffff, v14  }
0x9a: {  	[tilespmem:s11+$0x118E0] =	vst.add.f32.msk $0xffff, v15  }
0x9b: {  	[tilespmem:s11+$0x118F0] =	vst.add.f32.msk $0xffff, v16  }
0x9c: {  	[tilespmem:s11+$0x11900] =	vst.add.f32.msk $0xffff, v17  }
0x9d: {  	[tilespmem:s11+$0x11910] =	vst.add.f32.msk $0xffff, v18  }
0x9e: {  	[tilespmem:s11+$0x11920] =	vst.add.f32.msk $0xffff, v19  }
0x9f: {  	[tilespmem:s11+$0x11930] =	vst.add.f32.msk $0xffff, v20  }
0xa0: {  	[tilespmem:s11+$0x11940] =	vst.add.f32.msk $0xffff, v21  }
0xa1: {  	[tilespmem:s11+$0x11950] =	vst.add.f32.msk $0xffff, v22  }
0xa2: {  	[tilespmem:s11+$0x11960] =	vst.add.f32.msk $0xffff, v23  }
0xa3: {  	[tilespmem:s11+$0x11970] =	vst.add.f32.msk $0xffff, v24  }
0xa4: {  	[tilespmem:s11+$0x11980] =	vst.add.f32.msk $0xffff, v25  }
.Ltmp2:
0xa5: {  	[tilespmem:s11+$0x11990] =	vst.add.f32.msk $0xffff, v26;
	(pc) =	sbr.rel @p0 .LBB2_3-.Ltmp2, $4  }
0xa6: {  	[tilespmem:s11+$0x119A0] =	vst.add.f32.msk $0xffff, v27  }
0xa7: {  	[tilespmem:s11+$0x119B0] =	vst.add.f32.msk $0xffff, v28  }
0xa8: {  	[tilespmem:s11+$0x119C0] =	vst.add.f32.msk $0xffff, v29  }
0xa9: {  	s7 =	sadd.s32 $0x800, s7;
	[tilespmem:s11+$0x119D0] =	vst.add.f32.msk $0xffff, v30  }
0xaa: {  	s17 =	smul.u32 $0x190, s0;
	_ =	sdelay $0x1  }
0xab: {  	s1 =	sadd.s32 s6, s17  }
0xac: {  	s1 =	sshll.u32 s1, $0x4  }
0xad: {  	[tilespmem:s11+$0x119E0] =	vst.add.f32.msk $0xffff, v0;
	s15 =	smul.u32 $0x5, s0;
	p0 =	seq.s32 s0, $0x0;
	s1 =	sadd.s32 s4, s1  }
0xae: {  	[hbm4b:s1+s5] =	stream.linear.scatter [tilespmem:s14], [sflag:$0x6], $0x2800, $0x38;
	[tilespmem:$0x1E000] =	vst v63  }
0xaf: {  	s1 =	simm.s32 @!p0 $0x9  }
0xb0: {  	s11 =	sadd.s32 $0x3, s15;
	_ =	swait.ge @!p0 [sflag:s1], $0x2800  }
0xb1: {  	s7 =	sshll.u32 s11, $0x7;
	[sflag:s1] =	ssyncset.done @!p0 $0x0  }
0xb2: {  	s8 =	sand.u32 $0x3FFFFF80, s7;
	[sflag:s1] =	ssyncadd.s32 @!p0 $0xFFFFD800  }
0xb3: {  	[tilespmem:s20], [sflag:$0x4] =	stream.indirect.gather [hbm4b:s3+s13], $0x80, s8, s13, $0xb8;
	[tilespmem:$0x1E000] =	vst v63  }
0xb4: {  	_ =	swait.ge [sflag:s21], $0x2800  }
0xb5: {  	[sflag:s21] =	ssyncset.done $0x0  }
0xb6: {  	s1 =	simm.s32 $0x0;
	[sflag:s21] =	ssyncadd.s32 $0xFFFFD800  }
0xb7: {  	v0 =	vld [tilespmem:s1+$0xC9F0]  }
0xb8: {  	v1 =	vld [tilespmem:s1+$0xC800]  }
0xb9: {  	v2 =	vld [tilespmem:s1+$0xC810]  }
0xba: {  	v3 =	vld [tilespmem:s1+$0xC820]  }
0xbb: {  	v4 =	vld [tilespmem:s1+$0xC830]  }
0xbc: {  	v5 =	vld [tilespmem:s1+$0xC840]  }
0xbd: {  	v6 =	vld [tilespmem:s1+$0xC850]  }
0xbe: {  	v7 =	vld [tilespmem:s1+$0xC860]  }
0xbf: {  	v8 =	vld [tilespmem:s1+$0xC870]  }
0xc0: {  	v9 =	vld [tilespmem:s1+$0xC880]  }
0xc1: {  	v10 =	vld [tilespmem:s1+$0xC890]  }
0xc2: {  	v11 =	vld [tilespmem:s1+$0xC8A0]  }
0xc3: {  	v12 =	vld [tilespmem:s1+$0xC8B0]  }
0xc4: {  	v13 =	vld [tilespmem:s1+$0xC8C0]  }
0xc5: {  	v14 =	vld [tilespmem:s1+$0xC8D0]  }
0xc6: {  	v15 =	vld [tilespmem:s1+$0xC8E0]  }
0xc7: {  	v16 =	vld [tilespmem:s1+$0xC8F0]  }
0xc8: {  	v17 =	vld [tilespmem:s1+$0xC900]  }
0xc9: {  	v18 =	vld [tilespmem:s1+$0xC910]  }
0xca: {  	v19 =	vld [tilespmem:s1+$0xC920]  }
0xcb: {  	v20 =	vld [tilespmem:s1+$0xC930]  }
0xcc: {  	v21 =	vld [tilespmem:s1+$0xC940]  }
0xcd: {  	v22 =	vld [tilespmem:s1+$0xC950]  }
0xce: {  	v23 =	vld [tilespmem:s1+$0xC960]  }
0xcf: {  	v24 =	vld [tilespmem:s1+$0xC970]  }
0xd0: {  	v25 =	vld [tilespmem:s1+$0xC980]  }
0xd1: {  	v26 =	vld [tilespmem:s1+$0xC990]  }
0xd2: {  	v27 =	vld [tilespmem:s1+$0xC9A0]  }
0xd3: {  	v28 =	vld [tilespmem:s1+$0xC9B0]  }
0xd4: {  	v29 =	vld [tilespmem:s1+$0xC9C0]  }
0xd5: {  	v30 =	vld [tilespmem:s1+$0xC9D0]  }
0xd6: {  	[tilespmem:s1+$0x141F0] =	vst.add.f32.msk $0xffff, v0  }
0xd7: {  	v0 =	vld [tilespmem:s1+$0xC9E0]  }
0xd8: {  	[tilespmem:s1+$0x14000] =	vst.add.f32.msk $0xffff, v1  }
0xd9: {  	[tilespmem:s1+$0x14010] =	vst.add.f32.msk $0xffff, v2  }
0xda: {  	[tilespmem:s1+$0x14020] =	vst.add.f32.msk $0xffff, v3  }
0xdb: {  	[tilespmem:s1+$0x14030] =	vst.add.f32.msk $0xffff, v4  }
0xdc: {  	[tilespmem:s1+$0x14040] =	vst.add.f32.msk $0xffff, v5  }
0xdd: {  	[tilespmem:s1+$0x14050] =	vst.add.f32.msk $0xffff, v6  }
0xde: {  	[tilespmem:s1+$0x14060] =	vst.add.f32.msk $0xffff, v7  }
0xdf: {  	[tilespmem:s1+$0x14070] =	vst.add.f32.msk $0xffff, v8  }
0xe0: {  	[tilespmem:s1+$0x14080] =	vst.add.f32.msk $0xffff, v9  }
0xe1: {  	[tilespmem:s1+$0x14090] =	vst.add.f32.msk $0xffff, v10  }
0xe2: {  	[tilespmem:s1+$0x140A0] =	vst.add.f32.msk $0xffff, v11  }
0xe3: {  	[tilespmem:s1+$0x140B0] =	vst.add.f32.msk $0xffff, v12  }
0xe4: {  	[tilespmem:s1+$0x140C0] =	vst.add.f32.msk $0xffff, v13  }
0xe5: {  	[tilespmem:s1+$0x140D0] =	vst.add.f32.msk $0xffff, v14  }
0xe6: {  	[tilespmem:s1+$0x140E0] =	vst.add.f32.msk $0xffff, v15  }
0xe7: {  	[tilespmem:s1+$0x140F0] =	vst.add.f32.msk $0xffff, v16  }
0xe8: {  	[tilespmem:s1+$0x14100] =	vst.add.f32.msk $0xffff, v17  }
0xe9: {  	[tilespmem:s1+$0x14110] =	vst.add.f32.msk $0xffff, v18  }
0xea: {  	[tilespmem:s1+$0x14120] =	vst.add.f32.msk $0xffff, v19  }
0xeb: {  	[tilespmem:s1+$0x14130] =	vst.add.f32.msk $0xffff, v20  }
0xec: {  	[tilespmem:s1+$0x14140] =	vst.add.f32.msk $0xffff, v21  }
0xed: {  	[tilespmem:s1+$0x14150] =	vst.add.f32.msk $0xffff, v22  }
0xee: {  	[tilespmem:s1+$0x14160] =	vst.add.f32.msk $0xffff, v23  }
0xef: {  	[tilespmem:s1+$0x14170] =	vst.add.f32.msk $0xffff, v24  }
0xf0: {  	[tilespmem:s1+$0x14180] =	vst.add.f32.msk $0xffff, v25  }
0xf1: {  	[tilespmem:s1+$0x14190] =	vst.add.f32.msk $0xffff, v26  }
0xf2: {  	[tilespmem:s1+$0x141A0] =	vst.add.f32.msk $0xffff, v27  }
0xf3: {  	[tilespmem:s1+$0x141B0] =	vst.add.f32.msk $0xffff, v28  }
0xf4: {  	[tilespmem:s1+$0x141C0] =	vst.add.f32.msk $0xffff, v29  }
0xf5: {  	s7 =	simm.s32 $0x0;
	s8 =	simm.s32 $0x800;
	[tilespmem:s1+$0x141D0] =	vst.add.f32.msk $0xffff, v30  }
.LBB2_5:
0xf6: {  	s7 =	sadd.s32 $0x4, s7;
	[tilespmem:s1+$0x141E0] =	vst.add.f32.msk $0xffff, v0;
	s1 =	sshra.s32 s8, $0x2  }
0xf7: {  	v0 =	vld [tilespmem:s1+$0xC9F0];
	p1 =	slt.u32 s7, $0x4C  }
0xf8: {  	v1 =	vld [tilespmem:s1+$0xC800]  }
0xf9: {  	v2 =	vld [tilespmem:s1+$0xC810]  }
0xfa: {  	v3 =	vld [tilespmem:s1+$0xC820]  }
0xfb: {  	v4 =	vld [tilespmem:s1+$0xC830]  }
0xfc: {  	[tilespmem:s1+$0x141F0] =	vst.add.f32.msk $0xffff, v0  }
0xfd: {  	v5 =	vld [tilespmem:s1+$0xC840]  }
0xfe: {  	v6 =	vld [tilespmem:s1+$0xC850]  }
0xff: {  	v7 =	vld [tilespmem:s1+$0xC860]  }
0x100: {  	v8 =	vld [tilespmem:s1+$0xC870]  }
0x101: {  	v9 =	vld [tilespmem:s1+$0xC880]  }
0x102: {  	v10 =	vld [tilespmem:s1+$0xC890]  }
0x103: {  	v11 =	vld [tilespmem:s1+$0xC8A0]  }
0x104: {  	v12 =	vld [tilespmem:s1+$0xC8B0]  }
0x105: {  	v13 =	vld [tilespmem:s1+$0xC8C0]  }
0x106: {  	v14 =	vld [tilespmem:s1+$0xC8D0]  }
0x107: {  	v15 =	vld [tilespmem:s1+$0xC8E0]  }
0x108: {  	v16 =	vld [tilespmem:s1+$0xC8F0]  }
0x109: {  	v17 =	vld [tilespmem:s1+$0xC900]  }
0x10a: {  	v18 =	vld [tilespmem:s1+$0xC910]  }
0x10b: {  	v19 =	vld [tilespmem:s1+$0xC920]  }
0x10c: {  	v20 =	vld [tilespmem:s1+$0xC930]  }
0x10d: {  	v21 =	vld [tilespmem:s1+$0xC940]  }
0x10e: {  	v22 =	vld [tilespmem:s1+$0xC950]  }
0x10f: {  	v23 =	vld [tilespmem:s1+$0xC960]  }
0x110: {  	v24 =	vld [tilespmem:s1+$0xC970]  }
0x111: {  	v25 =	vld [tilespmem:s1+$0xC980]  }
0x112: {  	v26 =	vld [tilespmem:s1+$0xC990]  }
0x113: {  	v27 =	vld [tilespmem:s1+$0xC9A0]  }
0x114: {  	v28 =	vld [tilespmem:s1+$0xC9B0]  }
0x115: {  	v29 =	vld [tilespmem:s1+$0xC9C0]  }
0x116: {  	v30 =	vld [tilespmem:s1+$0xC9D0]  }
0x117: {  	v0 =	vld [tilespmem:s1+$0xC9E0]  }
0x118: {  	[tilespmem:s1+$0x14000] =	vst.add.f32.msk $0xffff, v1  }
0x119: {  	[tilespmem:s1+$0x14010] =	vst.add.f32.msk $0xffff, v2  }
0x11a: {  	[tilespmem:s1+$0x14020] =	vst.add.f32.msk $0xffff, v3  }
0x11b: {  	[tilespmem:s1+$0x14030] =	vst.add.f32.msk $0xffff, v4  }
0x11c: {  	[tilespmem:s1+$0x14040] =	vst.add.f32.msk $0xffff, v5  }
0x11d: {  	[tilespmem:s1+$0x14050] =	vst.add.f32.msk $0xffff, v6  }
0x11e: {  	[tilespmem:s1+$0x14060] =	vst.add.f32.msk $0xffff, v7  }
0x11f: {  	[tilespmem:s1+$0x14070] =	vst.add.f32.msk $0xffff, v8  }
0x120: {  	[tilespmem:s1+$0x14080] =	vst.add.f32.msk $0xffff, v9  }
0x121: {  	[tilespmem:s1+$0x14090] =	vst.add.f32.msk $0xffff, v10  }
0x122: {  	[tilespmem:s1+$0x140A0] =	vst.add.f32.msk $0xffff, v11  }
0x123: {  	[tilespmem:s1+$0x140B0] =	vst.add.f32.msk $0xffff, v12  }
0x124: {  	[tilespmem:s1+$0x140C0] =	vst.add.f32.msk $0xffff, v13  }
0x125: {  	[tilespmem:s1+$0x140D0] =	vst.add.f32.msk $0xffff, v14  }
0x126: {  	[tilespmem:s1+$0x140E0] =	vst.add.f32.msk $0xffff, v15  }
0x127: {  	[tilespmem:s1+$0x140F0] =	vst.add.f32.msk $0xffff, v16  }
0x128: {  	[tilespmem:s1+$0x14100] =	vst.add.f32.msk $0xffff, v17  }
0x129: {  	[tilespmem:s1+$0x14110] =	vst.add.f32.msk $0xffff, v18  }
0x12a: {  	[tilespmem:s1+$0x14120] =	vst.add.f32.msk $0xffff, v19  }
0x12b: {  	[tilespmem:s1+$0x14130] =	vst.add.f32.msk $0xffff, v20  }
0x12c: {  	[tilespmem:s1+$0x14140] =	vst.add.f32.msk $0xffff, v21  }
0x12d: {  	[tilespmem:s1+$0x14150] =	vst.add.f32.msk $0xffff, v22  }
0x12e: {  	[tilespmem:s1+$0x14160] =	vst.add.f32.msk $0xffff, v23  }
0x12f: {  	[tilespmem:s1+$0x14170] =	vst.add.f32.msk $0xffff, v24  }
0x130: {  	[tilespmem:s1+$0x14180] =	vst.add.f32.msk $0xffff, v25  }
.Ltmp3:
0x131: {  	[tilespmem:s1+$0x14190] =	vst.add.f32.msk $0xffff, v26;
	(pc) =	sbr.rel @p1 .LBB2_5-.Ltmp3, $4  }
0x132: {  	[tilespmem:s1+$0x141A0] =	vst.add.f32.msk $0xffff, v27  }
0x133: {  	[tilespmem:s1+$0x141B0] =	vst.add.f32.msk $0xffff, v28  }
0x134: {  	[tilespmem:s1+$0x141C0] =	vst.add.f32.msk $0xffff, v29  }
0x135: {  	s8 =	sadd.s32 $0x800, s8;
	[tilespmem:s1+$0x141D0] =	vst.add.f32.msk $0xffff, v30  }
0x136: {  	s7 =	sadd.s32 s9, s17  }
0x137: {  	s7 =	sshll.u32 s7, $0x4  }
0x138: {  	[tilespmem:s1+$0x141E0] =	vst.add.f32.msk $0xffff, v0;
	s1 =	simm.s32 @!p0 $0xA;
	s7 =	sadd.s32 s4, s7  }
0x139: {  	[hbm4b:s7+s5] =	stream.linear.scatter [tilespmem:s16], [sflag:$0x7], $0x2800, $0x38;
	[tilespmem:$0x1E000] =	vst v63  }
0x13a: {  	s15 =	sadd.s32 $0x4, s15;
	_ =	swait.ge @!p0 [sflag:s1], $0x2800  }
0x13b: {  	s8 =	sshll.u32 s15, $0x7;
	[sflag:s1] =	ssyncset.done @!p0 $0x0  }
0x13c: {  	s8 =	sand.u32 $0x3FFFFF80, s8;
	[sflag:s1] =	ssyncadd.s32 @!p0 $0xFFFFD800  }
0x13d: {  	[tilespmem:s22], [sflag:$0x5] =	stream.indirect.gather [hbm4b:s3+s13], $0x80, s8, s13, $0xb8;
	[tilespmem:$0x1E000] =	vst v63  }
0x13e: {  	_ =	swait.ge [sflag:s23], $0x2800  }
0x13f: {  	[sflag:s23] =	ssyncset.done $0x0  }
0x140: {  	s1 =	simm.s32 $0x0;
	[sflag:s23] =	ssyncadd.s32 $0xFFFFD800  }
0x141: {  	v0 =	vld [tilespmem:s1+$0xF1F0]  }
0x142: {  	v1 =	vld [tilespmem:s1+$0xF000]  }
0x143: {  	v2 =	vld [tilespmem:s1+$0xF010]  }
0x144: {  	v3 =	vld [tilespmem:s1+$0xF020]  }
0x145: {  	v4 =	vld [tilespmem:s1+$0xF030]  }
0x146: {  	v5 =	vld [tilespmem:s1+$0xF040]  }
0x147: {  	v6 =	vld [tilespmem:s1+$0xF050]  }
0x148: {  	v7 =	vld [tilespmem:s1+$0xF060]  }
0x149: {  	v8 =	vld [tilespmem:s1+$0xF070]  }
0x14a: {  	v9 =	vld [tilespmem:s1+$0xF080]  }
0x14b: {  	v10 =	vld [tilespmem:s1+$0xF090]  }
0x14c: {  	v11 =	vld [tilespmem:s1+$0xF0A0]  }
0x14d: {  	v12 =	vld [tilespmem:s1+$0xF0B0]  }
0x14e: {  	v13 =	vld [tilespmem:s1+$0xF0C0]  }
0x14f: {  	v14 =	vld [tilespmem:s1+$0xF0D0]  }
0x150: {  	v15 =	vld [tilespmem:s1+$0xF0E0]  }
0x151: {  	v16 =	vld [tilespmem:s1+$0xF0F0]  }
0x152: {  	v17 =	vld [tilespmem:s1+$0xF100]  }
0x153: {  	v18 =	vld [tilespmem:s1+$0xF110]  }
0x154: {  	v19 =	vld [tilespmem:s1+$0xF120]  }
0x155: {  	v20 =	vld [tilespmem:s1+$0xF130]  }
0x156: {  	v21 =	vld [tilespmem:s1+$0xF140]  }
0x157: {  	v22 =	vld [tilespmem:s1+$0xF150]  }
0x158: {  	v23 =	vld [tilespmem:s1+$0xF160]  }
0x159: {  	v24 =	vld [tilespmem:s1+$0xF170]  }
0x15a: {  	v25 =	vld [tilespmem:s1+$0xF180]  }
0x15b: {  	v26 =	vld [tilespmem:s1+$0xF190]  }
0x15c: {  	v27 =	vld [tilespmem:s1+$0xF1A0]  }
0x15d: {  	v28 =	vld [tilespmem:s1+$0xF1B0]  }
0x15e: {  	v29 =	vld [tilespmem:s1+$0xF1C0]  }
0x15f: {  	v30 =	vld [tilespmem:s1+$0xF1D0]  }
0x160: {  	[tilespmem:s1+$0x169F0] =	vst.add.f32.msk $0xffff, v0  }
0x161: {  	v0 =	vld [tilespmem:s1+$0xF1E0]  }
0x162: {  	[tilespmem:s1+$0x16800] =	vst.add.f32.msk $0xffff, v1  }
0x163: {  	[tilespmem:s1+$0x16810] =	vst.add.f32.msk $0xffff, v2  }
0x164: {  	[tilespmem:s1+$0x16820] =	vst.add.f32.msk $0xffff, v3  }
0x165: {  	[tilespmem:s1+$0x16830] =	vst.add.f32.msk $0xffff, v4  }
0x166: {  	[tilespmem:s1+$0x16840] =	vst.add.f32.msk $0xffff, v5  }
0x167: {  	[tilespmem:s1+$0x16850] =	vst.add.f32.msk $0xffff, v6  }
0x168: {  	[tilespmem:s1+$0x16860] =	vst.add.f32.msk $0xffff, v7  }
0x169: {  	[tilespmem:s1+$0x16870] =	vst.add.f32.msk $0xffff, v8  }
0x16a: {  	[tilespmem:s1+$0x16880] =	vst.add.f32.msk $0xffff, v9  }
0x16b: {  	[tilespmem:s1+$0x16890] =	vst.add.f32.msk $0xffff, v10  }
0x16c: {  	[tilespmem:s1+$0x168A0] =	vst.add.f32.msk $0xffff, v11  }
0x16d: {  	[tilespmem:s1+$0x168B0] =	vst.add.f32.msk $0xffff, v12  }
0x16e: {  	[tilespmem:s1+$0x168C0] =	vst.add.f32.msk $0xffff, v13  }
0x16f: {  	[tilespmem:s1+$0x168D0] =	vst.add.f32.msk $0xffff, v14  }
0x170: {  	[tilespmem:s1+$0x168E0] =	vst.add.f32.msk $0xffff, v15  }
0x171: {  	[tilespmem:s1+$0x168F0] =	vst.add.f32.msk $0xffff, v16  }
0x172: {  	[tilespmem:s1+$0x16900] =	vst.add.f32.msk $0xffff, v17  }
0x173: {  	[tilespmem:s1+$0x16910] =	vst.add.f32.msk $0xffff, v18  }
0x174: {  	[tilespmem:s1+$0x16920] =	vst.add.f32.msk $0xffff, v19  }
0x175: {  	[tilespmem:s1+$0x16930] =	vst.add.f32.msk $0xffff, v20  }
0x176: {  	[tilespmem:s1+$0x16940] =	vst.add.f32.msk $0xffff, v21  }
0x177: {  	[tilespmem:s1+$0x16950] =	vst.add.f32.msk $0xffff, v22  }
0x178: {  	[tilespmem:s1+$0x16960] =	vst.add.f32.msk $0xffff, v23  }
0x179: {  	[tilespmem:s1+$0x16970] =	vst.add.f32.msk $0xffff, v24  }
0x17a: {  	[tilespmem:s1+$0x16980] =	vst.add.f32.msk $0xffff, v25  }
0x17b: {  	[tilespmem:s1+$0x16990] =	vst.add.f32.msk $0xffff, v26  }
0x17c: {  	[tilespmem:s1+$0x169A0] =	vst.add.f32.msk $0xffff, v27  }
0x17d: {  	[tilespmem:s1+$0x169B0] =	vst.add.f32.msk $0xffff, v28  }
0x17e: {  	[tilespmem:s1+$0x169C0] =	vst.add.f32.msk $0xffff, v29  }
0x17f: {  	s7 =	simm.s32 $0x0;
	s8 =	simm.s32 $0x800;
	[tilespmem:s1+$0x169D0] =	vst.add.f32.msk $0xffff, v30  }
.LBB2_7:
0x180: {  	s7 =	sadd.s32 $0x4, s7;
	[tilespmem:s1+$0x169E0] =	vst.add.f32.msk $0xffff, v0;
	s1 =	sshra.s32 s8, $0x2  }
0x181: {  	v0 =	vld [tilespmem:s1+$0xF1F0];
	p0 =	slt.u32 s7, $0x4C  }
0x182: {  	v1 =	vld [tilespmem:s1+$0xF000]  }
0x183: {  	v2 =	vld [tilespmem:s1+$0xF010]  }
0x184: {  	v3 =	vld [tilespmem:s1+$0xF020]  }
0x185: {  	v4 =	vld [tilespmem:s1+$0xF030]  }
0x186: {  	[tilespmem:s1+$0x169F0] =	vst.add.f32.msk $0xffff, v0  }
0x187: {  	v5 =	vld [tilespmem:s1+$0xF040]  }
0x188: {  	v6 =	vld [tilespmem:s1+$0xF050]  }
0x189: {  	v7 =	vld [tilespmem:s1+$0xF060]  }
0x18a: {  	v8 =	vld [tilespmem:s1+$0xF070]  }
0x18b: {  	v9 =	vld [tilespmem:s1+$0xF080]  }
0x18c: {  	v10 =	vld [tilespmem:s1+$0xF090]  }
0x18d: {  	v11 =	vld [tilespmem:s1+$0xF0A0]  }
0x18e: {  	v12 =	vld [tilespmem:s1+$0xF0B0]  }
0x18f: {  	v13 =	vld [tilespmem:s1+$0xF0C0]  }
0x190: {  	v14 =	vld [tilespmem:s1+$0xF0D0]  }
0x191: {  	v15 =	vld [tilespmem:s1+$0xF0E0]  }
0x192: {  	v16 =	vld [tilespmem:s1+$0xF0F0]  }
0x193: {  	v17 =	vld [tilespmem:s1+$0xF100]  }
0x194: {  	v18 =	vld [tilespmem:s1+$0xF110]  }
0x195: {  	v19 =	vld [tilespmem:s1+$0xF120]  }
0x196: {  	v20 =	vld [tilespmem:s1+$0xF130]  }
0x197: {  	v21 =	vld [tilespmem:s1+$0xF140]  }
0x198: {  	v22 =	vld [tilespmem:s1+$0xF150]  }
0x199: {  	v23 =	vld [tilespmem:s1+$0xF160]  }
0x19a: {  	v24 =	vld [tilespmem:s1+$0xF170]  }
0x19b: {  	v25 =	vld [tilespmem:s1+$0xF180]  }
0x19c: {  	v26 =	vld [tilespmem:s1+$0xF190]  }
0x19d: {  	v27 =	vld [tilespmem:s1+$0xF1A0]  }
0x19e: {  	v28 =	vld [tilespmem:s1+$0xF1B0]  }
0x19f: {  	v29 =	vld [tilespmem:s1+$0xF1C0]  }
0x1a0: {  	v30 =	vld [tilespmem:s1+$0xF1D0]  }
0x1a1: {  	v0 =	vld [tilespmem:s1+$0xF1E0]  }
0x1a2: {  	[tilespmem:s1+$0x16800] =	vst.add.f32.msk $0xffff, v1  }
0x1a3: {  	[tilespmem:s1+$0x16810] =	vst.add.f32.msk $0xffff, v2  }
0x1a4: {  	[tilespmem:s1+$0x16820] =	vst.add.f32.msk $0xffff, v3  }
0x1a5: {  	[tilespmem:s1+$0x16830] =	vst.add.f32.msk $0xffff, v4  }
0x1a6: {  	[tilespmem:s1+$0x16840] =	vst.add.f32.msk $0xffff, v5  }
0x1a7: {  	[tilespmem:s1+$0x16850] =	vst.add.f32.msk $0xffff, v6  }
0x1a8: {  	[tilespmem:s1+$0x16860] =	vst.add.f32.msk $0xffff, v7  }
0x1a9: {  	[tilespmem:s1+$0x16870] =	vst.add.f32.msk $0xffff, v8  }
0x1aa: {  	[tilespmem:s1+$0x16880] =	vst.add.f32.msk $0xffff, v9  }
0x1ab: {  	[tilespmem:s1+$0x16890] =	vst.add.f32.msk $0xffff, v10  }
0x1ac: {  	[tilespmem:s1+$0x168A0] =	vst.add.f32.msk $0xffff, v11  }
0x1ad: {  	[tilespmem:s1+$0x168B0] =	vst.add.f32.msk $0xffff, v12  }
0x1ae: {  	[tilespmem:s1+$0x168C0] =	vst.add.f32.msk $0xffff, v13  }
0x1af: {  	[tilespmem:s1+$0x168D0] =	vst.add.f32.msk $0xffff, v14  }
0x1b0: {  	[tilespmem:s1+$0x168E0] =	vst.add.f32.msk $0xffff, v15  }
0x1b1: {  	[tilespmem:s1+$0x168F0] =	vst.add.f32.msk $0xffff, v16  }
0x1b2: {  	[tilespmem:s1+$0x16900] =	vst.add.f32.msk $0xffff, v17  }
0x1b3: {  	[tilespmem:s1+$0x16910] =	vst.add.f32.msk $0xffff, v18  }
0x1b4: {  	[tilespmem:s1+$0x16920] =	vst.add.f32.msk $0xffff, v19  }
0x1b5: {  	[tilespmem:s1+$0x16930] =	vst.add.f32.msk $0xffff, v20  }
0x1b6: {  	[tilespmem:s1+$0x16940] =	vst.add.f32.msk $0xffff, v21  }
0x1b7: {  	[tilespmem:s1+$0x16950] =	vst.add.f32.msk $0xffff, v22  }
0x1b8: {  	[tilespmem:s1+$0x16960] =	vst.add.f32.msk $0xffff, v23  }
0x1b9: {  	[tilespmem:s1+$0x16970] =	vst.add.f32.msk $0xffff, v24  }
0x1ba: {  	[tilespmem:s1+$0x16980] =	vst.add.f32.msk $0xffff, v25  }
.Ltmp4:
0x1bb: {  	[tilespmem:s1+$0x16990] =	vst.add.f32.msk $0xffff, v26;
	(pc) =	sbr.rel @p0 .LBB2_7-.Ltmp4, $4  }
0x1bc: {  	[tilespmem:s1+$0x169A0] =	vst.add.f32.msk $0xffff, v27  }
0x1bd: {  	[tilespmem:s1+$0x169B0] =	vst.add.f32.msk $0xffff, v28  }
0x1be: {  	[tilespmem:s1+$0x169C0] =	vst.add.f32.msk $0xffff, v29  }
0x1bf: {  	s8 =	sadd.s32 $0x800, s8;
	[tilespmem:s1+$0x169D0] =	vst.add.f32.msk $0xffff, v30  }
0x1c0: {  	s7 =	sadd.s32 s10, s17  }
0x1c1: {  	p0 =	seq.s32 s0, $0x3F;
	s7 =	sshll.u32 s7, $0x4  }
0x1c2: {  	[tilespmem:s1+$0x169E0] =	vst.add.f32.msk $0xffff, v0;
	s1 =	smul.u32 @!p0 $0xA00, s0;
	s17 =	sadd.s32 s4, s7  }
0x1c3: {  	[hbm4b:s17+s5] =	stream.linear.scatter [tilespmem:s18], [sflag:$0x8], $0x2800, $0x38;
	[tilespmem:$0x1E000] =	vst v63  }
0x1c4: {  	_ =	swait.ge [sflag:s24], $0x2800  }
0x1c5: {  	s8 =	simm.s32 @!p0 $0x11800;
	s17 =	sshra.s32 @!p0 s1, $0x2;
	[sflag:s24] =	ssyncset.done $0x0  }
0x1c6: {  	s7 =	simm.s32 @!p0 $0x50;
	s1 =	sadd.s32 @!p0 $0x280, s17;
	[sflag:s24] =	ssyncadd.s32 $0xFFFFD800  }
0x1c7: {  	[tilespmem:s8], [sflag:$0x1] =	stream.indirect.gather @!p0 [hbm4b:s3+s7], $0x80, s1, s7, $0xb8;
	[tilespmem:$0x1E000] =	vst v63  }
0x1c8: {  	_ =	swait.ge [sflag:s25], $0x2800  }
0x1c9: {  	[sflag:s25] =	ssyncset.done $0x0  }
0x1ca: {  	s1 =	simm.s32 $0x0;
	[sflag:s25] =	ssyncadd.s32 $0xFFFFD800  }
0x1cb: {  	v0 =	vld [tilespmem:s1+$0xB5F0]  }
0x1cc: {  	v1 =	vld [tilespmem:s1+$0xB400]  }
0x1cd: {  	v2 =	vld [tilespmem:s1+$0xB410]  }
0x1ce: {  	v3 =	vld [tilespmem:s1+$0xB420]  }
0x1cf: {  	v4 =	vld [tilespmem:s1+$0xB430]  }
0x1d0: {  	v5 =	vld [tilespmem:s1+$0xB440]  }
0x1d1: {  	v6 =	vld [tilespmem:s1+$0xB450]  }
0x1d2: {  	v7 =	vld [tilespmem:s1+$0xB460]  }
0x1d3: {  	v8 =	vld [tilespmem:s1+$0xB470]  }
0x1d4: {  	v9 =	vld [tilespmem:s1+$0xB480]  }
0x1d5: {  	v10 =	vld [tilespmem:s1+$0xB490]  }
0x1d6: {  	v11 =	vld [tilespmem:s1+$0xB4A0]  }
0x1d7: {  	v12 =	vld [tilespmem:s1+$0xB4B0]  }
0x1d8: {  	v13 =	vld [tilespmem:s1+$0xB4C0]  }
0x1d9: {  	v14 =	vld [tilespmem:s1+$0xB4D0]  }
0x1da: {  	v15 =	vld [tilespmem:s1+$0xB4E0]  }
0x1db: {  	v16 =	vld [tilespmem:s1+$0xB4F0]  }
0x1dc: {  	v17 =	vld [tilespmem:s1+$0xB500]  }
0x1dd: {  	v18 =	vld [tilespmem:s1+$0xB510]  }
0x1de: {  	v19 =	vld [tilespmem:s1+$0xB520]  }
0x1df: {  	v20 =	vld [tilespmem:s1+$0xB530]  }
0x1e0: {  	v21 =	vld [tilespmem:s1+$0xB540]  }
0x1e1: {  	v22 =	vld [tilespmem:s1+$0xB550]  }
0x1e2: {  	v23 =	vld [tilespmem:s1+$0xB560]  }
0x1e3: {  	v24 =	vld [tilespmem:s1+$0xB570]  }
0x1e4: {  	v25 =	vld [tilespmem:s1+$0xB580]  }
0x1e5: {  	v26 =	vld [tilespmem:s1+$0xB590]  }
0x1e6: {  	v27 =	vld [tilespmem:s1+$0xB5A0]  }
0x1e7: {  	v28 =	vld [tilespmem:s1+$0xB5B0]  }
0x1e8: {  	v29 =	vld [tilespmem:s1+$0xB5C0]  }
0x1e9: {  	v30 =	vld [tilespmem:s1+$0xB5D0]  }
0x1ea: {  	[tilespmem:s1+$0x191F0] =	vst.add.f32.msk $0xffff, v0  }
0x1eb: {  	v0 =	vld [tilespmem:s1+$0xB5E0]  }
0x1ec: {  	[tilespmem:s1+$0x19000] =	vst.add.f32.msk $0xffff, v1  }
0x1ed: {  	[tilespmem:s1+$0x19010] =	vst.add.f32.msk $0xffff, v2  }
0x1ee: {  	[tilespmem:s1+$0x19020] =	vst.add.f32.msk $0xffff, v3  }
0x1ef: {  	[tilespmem:s1+$0x19030] =	vst.add.f32.msk $0xffff, v4  }
0x1f0: {  	[tilespmem:s1+$0x19040] =	vst.add.f32.msk $0xffff, v5  }
0x1f1: {  	[tilespmem:s1+$0x19050] =	vst.add.f32.msk $0xffff, v6  }
0x1f2: {  	[tilespmem:s1+$0x19060] =	vst.add.f32.msk $0xffff, v7  }
0x1f3: {  	[tilespmem:s1+$0x19070] =	vst.add.f32.msk $0xffff, v8  }
0x1f4: {  	[tilespmem:s1+$0x19080] =	vst.add.f32.msk $0xffff, v9  }
0x1f5: {  	[tilespmem:s1+$0x19090] =	vst.add.f32.msk $0xffff, v10  }
0x1f6: {  	[tilespmem:s1+$0x190A0] =	vst.add.f32.msk $0xffff, v11  }
0x1f7: {  	[tilespmem:s1+$0x190B0] =	vst.add.f32.msk $0xffff, v12  }
0x1f8: {  	[tilespmem:s1+$0x190C0] =	vst.add.f32.msk $0xffff, v13  }
0x1f9: {  	[tilespmem:s1+$0x190D0] =	vst.add.f32.msk $0xffff, v14  }
0x1fa: {  	[tilespmem:s1+$0x190E0] =	vst.add.f32.msk $0xffff, v15  }
0x1fb: {  	[tilespmem:s1+$0x190F0] =	vst.add.f32.msk $0xffff, v16  }
0x1fc: {  	[tilespmem:s1+$0x19100] =	vst.add.f32.msk $0xffff, v17  }
0x1fd: {  	[tilespmem:s1+$0x19110] =	vst.add.f32.msk $0xffff, v18  }
0x1fe: {  	[tilespmem:s1+$0x19120] =	vst.add.f32.msk $0xffff, v19  }
0x1ff: {  	[tilespmem:s1+$0x19130] =	vst.add.f32.msk $0xffff, v20  }
0x200: {  	[tilespmem:s1+$0x19140] =	vst.add.f32.msk $0xffff, v21  }
0x201: {  	[tilespmem:s1+$0x19150] =	vst.add.f32.msk $0xffff, v22  }
0x202: {  	[tilespmem:s1+$0x19160] =	vst.add.f32.msk $0xffff, v23  }
0x203: {  	[tilespmem:s1+$0x19170] =	vst.add.f32.msk $0xffff, v24  }
0x204: {  	[tilespmem:s1+$0x19180] =	vst.add.f32.msk $0xffff, v25  }
0x205: {  	[tilespmem:s1+$0x19190] =	vst.add.f32.msk $0xffff, v26  }
0x206: {  	[tilespmem:s1+$0x191A0] =	vst.add.f32.msk $0xffff, v27  }
0x207: {  	[tilespmem:s1+$0x191B0] =	vst.add.f32.msk $0xffff, v28  }
0x208: {  	[tilespmem:s1+$0x191C0] =	vst.add.f32.msk $0xffff, v29  }
0x209: {  	s11 =	smul.u32 $0x50, s11;
	s7 =	simm.s32 $0x0;
	s8 =	simm.s32 $0x800;
	[tilespmem:s1+$0x191D0] =	vst.add.f32.msk $0xffff, v30  }
.LBB2_9:
0x20a: {  	s7 =	sadd.s32 $0x4, s7;
	[tilespmem:s1+$0x191E0] =	vst.add.f32.msk $0xffff, v0;
	s1 =	sshra.s32 s8, $0x2  }
0x20b: {  	v0 =	vld [tilespmem:s1+$0xB5F0];
	p1 =	slt.u32 s7, $0x4C  }
0x20c: {  	v1 =	vld [tilespmem:s1+$0xB400]  }
0x20d: {  	v2 =	vld [tilespmem:s1+$0xB410]  }
0x20e: {  	v3 =	vld [tilespmem:s1+$0xB420]  }
0x20f: {  	v4 =	vld [tilespmem:s1+$0xB430]  }
0x210: {  	[tilespmem:s1+$0x191F0] =	vst.add.f32.msk $0xffff, v0  }
0x211: {  	v5 =	vld [tilespmem:s1+$0xB440]  }
0x212: {  	v6 =	vld [tilespmem:s1+$0xB450]  }
0x213: {  	v7 =	vld [tilespmem:s1+$0xB460]  }
0x214: {  	v8 =	vld [tilespmem:s1+$0xB470]  }
0x215: {  	v9 =	vld [tilespmem:s1+$0xB480]  }
0x216: {  	v10 =	vld [tilespmem:s1+$0xB490]  }
0x217: {  	v11 =	vld [tilespmem:s1+$0xB4A0]  }
0x218: {  	v12 =	vld [tilespmem:s1+$0xB4B0]  }
0x219: {  	v13 =	vld [tilespmem:s1+$0xB4C0]  }
0x21a: {  	v14 =	vld [tilespmem:s1+$0xB4D0]  }
0x21b: {  	v15 =	vld [tilespmem:s1+$0xB4E0]  }
0x21c: {  	v16 =	vld [tilespmem:s1+$0xB4F0]  }
0x21d: {  	v17 =	vld [tilespmem:s1+$0xB500]  }
0x21e: {  	v18 =	vld [tilespmem:s1+$0xB510]  }
0x21f: {  	v19 =	vld [tilespmem:s1+$0xB520]  }
0x220: {  	v20 =	vld [tilespmem:s1+$0xB530]  }
0x221: {  	v21 =	vld [tilespmem:s1+$0xB540]  }
0x222: {  	v22 =	vld [tilespmem:s1+$0xB550]  }
0x223: {  	v23 =	vld [tilespmem:s1+$0xB560]  }
0x224: {  	v24 =	vld [tilespmem:s1+$0xB570]  }
0x225: {  	v25 =	vld [tilespmem:s1+$0xB580]  }
0x226: {  	v26 =	vld [tilespmem:s1+$0xB590]  }
0x227: {  	v27 =	vld [tilespmem:s1+$0xB5A0]  }
0x228: {  	v28 =	vld [tilespmem:s1+$0xB5B0]  }
0x229: {  	v29 =	vld [tilespmem:s1+$0xB5C0]  }
0x22a: {  	v30 =	vld [tilespmem:s1+$0xB5D0]  }
0x22b: {  	v0 =	vld [tilespmem:s1+$0xB5E0]  }
0x22c: {  	[tilespmem:s1+$0x19000] =	vst.add.f32.msk $0xffff, v1  }
0x22d: {  	[tilespmem:s1+$0x19010] =	vst.add.f32.msk $0xffff, v2  }
0x22e: {  	[tilespmem:s1+$0x19020] =	vst.add.f32.msk $0xffff, v3  }
0x22f: {  	[tilespmem:s1+$0x19030] =	vst.add.f32.msk $0xffff, v4  }
0x230: {  	[tilespmem:s1+$0x19040] =	vst.add.f32.msk $0xffff, v5  }
0x231: {  	[tilespmem:s1+$0x19050] =	vst.add.f32.msk $0xffff, v6  }
0x232: {  	[tilespmem:s1+$0x19060] =	vst.add.f32.msk $0xffff, v7  }
0x233: {  	[tilespmem:s1+$0x19070] =	vst.add.f32.msk $0xffff, v8  }
0x234: {  	[tilespmem:s1+$0x19080] =	vst.add.f32.msk $0xffff, v9  }
0x235: {  	[tilespmem:s1+$0x19090] =	vst.add.f32.msk $0xffff, v10  }
0x236: {  	[tilespmem:s1+$0x190A0] =	vst.add.f32.msk $0xffff, v11  }
0x237: {  	[tilespmem:s1+$0x190B0] =	vst.add.f32.msk $0xffff, v12  }
0x238: {  	[tilespmem:s1+$0x190C0] =	vst.add.f32.msk $0xffff, v13  }
0x239: {  	[tilespmem:s1+$0x190D0] =	vst.add.f32.msk $0xffff, v14  }
0x23a: {  	[tilespmem:s1+$0x190E0] =	vst.add.f32.msk $0xffff, v15  }
0x23b: {  	[tilespmem:s1+$0x190F0] =	vst.add.f32.msk $0xffff, v16  }
0x23c: {  	[tilespmem:s1+$0x19100] =	vst.add.f32.msk $0xffff, v17  }
0x23d: {  	[tilespmem:s1+$0x19110] =	vst.add.f32.msk $0xffff, v18  }
0x23e: {  	[tilespmem:s1+$0x19120] =	vst.add.f32.msk $0xffff, v19  }
0x23f: {  	[tilespmem:s1+$0x19130] =	vst.add.f32.msk $0xffff, v20  }
0x240: {  	[tilespmem:s1+$0x19140] =	vst.add.f32.msk $0xffff, v21  }
0x241: {  	[tilespmem:s1+$0x19150] =	vst.add.f32.msk $0xffff, v22  }
0x242: {  	[tilespmem:s1+$0x19160] =	vst.add.f32.msk $0xffff, v23  }
0x243: {  	[tilespmem:s1+$0x19170] =	vst.add.f32.msk $0xffff, v24  }
0x244: {  	[tilespmem:s1+$0x19180] =	vst.add.f32.msk $0xffff, v25  }
.Ltmp5:
0x245: {  	[tilespmem:s1+$0x19190] =	vst.add.f32.msk $0xffff, v26;
	(pc) =	sbr.rel @p1 .LBB2_9-.Ltmp5, $4  }
0x246: {  	[tilespmem:s1+$0x191A0] =	vst.add.f32.msk $0xffff, v27  }
0x247: {  	[tilespmem:s1+$0x191B0] =	vst.add.f32.msk $0xffff, v28  }
0x248: {  	[tilespmem:s1+$0x191C0] =	vst.add.f32.msk $0xffff, v29  }
0x249: {  	s8 =	sadd.s32 $0x800, s8;
	[tilespmem:s1+$0x191D0] =	vst.add.f32.msk $0xffff, v30  }
0x24a: {  	s7 =	sadd.s32 s6, s11  }
0x24b: {  	s7 =	sshll.u32 s7, $0x4  }
0x24c: {  	[tilespmem:s1+$0x191E0] =	vst.add.f32.msk $0xffff, v0;
	s11 =	sadd.s32 s4, s7  }
0x24d: {  	[hbm4b:s11+s5] =	stream.linear.scatter [tilespmem:s20], [sflag:$0x9], $0x2800, $0x38;
	[tilespmem:$0x1E000] =	vst v63  }
0x24e: {  	_ =	swait.ge [sflag:s26], $0x2800  }
0x24f: {  	s1 =	sadd.s32 @!p0 $0x300, s17;
	[sflag:s26] =	ssyncset.done $0x0  }
0x250: {  	s8 =	simm.s32 @!p0 $0x14000;
	s7 =	simm.s32 @!p0 $0x50;
	[sflag:s26] =	ssyncadd.s32 $0xFFFFD800  }
0x251: {  	[tilespmem:s8], [sflag:$0x2] =	stream.indirect.gather @!p0 [hbm4b:s3+s7], $0x80, s1, s7, $0xb8;
	[tilespmem:$0x1E000] =	vst v63  }
0x252: {  	_ =	swait.ge [sflag:s28], $0x2800  }
0x253: {  	[sflag:s28] =	ssyncset.done $0x0  }
0x254: {  	s1 =	simm.s32 $0x0;
	[sflag:s28] =	ssyncadd.s32 $0xFFFFD800  }
0x255: {  	v0 =	vld [tilespmem:s1+$0xDDF0]  }
0x256: {  	v1 =	vld [tilespmem:s1+$0xDC00]  }
0x257: {  	v2 =	vld [tilespmem:s1+$0xDC10]  }
0x258: {  	v3 =	vld [tilespmem:s1+$0xDC20]  }
0x259: {  	v4 =	vld [tilespmem:s1+$0xDC30]  }
0x25a: {  	v5 =	vld [tilespmem:s1+$0xDC40]  }
0x25b: {  	v6 =	vld [tilespmem:s1+$0xDC50]  }
0x25c: {  	v7 =	vld [tilespmem:s1+$0xDC60]  }
0x25d: {  	v8 =	vld [tilespmem:s1+$0xDC70]  }
0x25e: {  	v9 =	vld [tilespmem:s1+$0xDC80]  }
0x25f: {  	v10 =	vld [tilespmem:s1+$0xDC90]  }
0x260: {  	v11 =	vld [tilespmem:s1+$0xDCA0]  }
0x261: {  	v12 =	vld [tilespmem:s1+$0xDCB0]  }
0x262: {  	v13 =	vld [tilespmem:s1+$0xDCC0]  }
0x263: {  	v14 =	vld [tilespmem:s1+$0xDCD0]  }
0x264: {  	v15 =	vld [tilespmem:s1+$0xDCE0]  }
0x265: {  	v16 =	vld [tilespmem:s1+$0xDCF0]  }
0x266: {  	v17 =	vld [tilespmem:s1+$0xDD00]  }
0x267: {  	v18 =	vld [tilespmem:s1+$0xDD10]  }
0x268: {  	v19 =	vld [tilespmem:s1+$0xDD20]  }
0x269: {  	v20 =	vld [tilespmem:s1+$0xDD30]  }
0x26a: {  	v21 =	vld [tilespmem:s1+$0xDD40]  }
0x26b: {  	v22 =	vld [tilespmem:s1+$0xDD50]  }
0x26c: {  	v23 =	vld [tilespmem:s1+$0xDD60]  }
0x26d: {  	v24 =	vld [tilespmem:s1+$0xDD70]  }
0x26e: {  	v25 =	vld [tilespmem:s1+$0xDD80]  }
0x26f: {  	v26 =	vld [tilespmem:s1+$0xDD90]  }
0x270: {  	v27 =	vld [tilespmem:s1+$0xDDA0]  }
0x271: {  	v28 =	vld [tilespmem:s1+$0xDDB0]  }
0x272: {  	v29 =	vld [tilespmem:s1+$0xDDC0]  }
0x273: {  	v30 =	vld [tilespmem:s1+$0xDDD0]  }
0x274: {  	[tilespmem:s1+$0x1B9F0] =	vst.add.f32.msk $0xffff, v0  }
0x275: {  	v0 =	vld [tilespmem:s1+$0xDDE0]  }
0x276: {  	[tilespmem:s1+$0x1B800] =	vst.add.f32.msk $0xffff, v1  }
0x277: {  	[tilespmem:s1+$0x1B810] =	vst.add.f32.msk $0xffff, v2  }
0x278: {  	[tilespmem:s1+$0x1B820] =	vst.add.f32.msk $0xffff, v3  }
0x279: {  	[tilespmem:s1+$0x1B830] =	vst.add.f32.msk $0xffff, v4  }
0x27a: {  	[tilespmem:s1+$0x1B840] =	vst.add.f32.msk $0xffff, v5  }
0x27b: {  	[tilespmem:s1+$0x1B850] =	vst.add.f32.msk $0xffff, v6  }
0x27c: {  	[tilespmem:s1+$0x1B860] =	vst.add.f32.msk $0xffff, v7  }
0x27d: {  	[tilespmem:s1+$0x1B870] =	vst.add.f32.msk $0xffff, v8  }
0x27e: {  	[tilespmem:s1+$0x1B880] =	vst.add.f32.msk $0xffff, v9  }
0x27f: {  	[tilespmem:s1+$0x1B890] =	vst.add.f32.msk $0xffff, v10  }
0x280: {  	[tilespmem:s1+$0x1B8A0] =	vst.add.f32.msk $0xffff, v11  }
0x281: {  	[tilespmem:s1+$0x1B8B0] =	vst.add.f32.msk $0xffff, v12  }
0x282: {  	[tilespmem:s1+$0x1B8C0] =	vst.add.f32.msk $0xffff, v13  }
0x283: {  	[tilespmem:s1+$0x1B8D0] =	vst.add.f32.msk $0xffff, v14  }
0x284: {  	[tilespmem:s1+$0x1B8E0] =	vst.add.f32.msk $0xffff, v15  }
0x285: {  	[tilespmem:s1+$0x1B8F0] =	vst.add.f32.msk $0xffff, v16  }
0x286: {  	[tilespmem:s1+$0x1B900] =	vst.add.f32.msk $0xffff, v17  }
0x287: {  	[tilespmem:s1+$0x1B910] =	vst.add.f32.msk $0xffff, v18  }
0x288: {  	[tilespmem:s1+$0x1B920] =	vst.add.f32.msk $0xffff, v19  }
0x289: {  	[tilespmem:s1+$0x1B930] =	vst.add.f32.msk $0xffff, v20  }
0x28a: {  	[tilespmem:s1+$0x1B940] =	vst.add.f32.msk $0xffff, v21  }
0x28b: {  	[tilespmem:s1+$0x1B950] =	vst.add.f32.msk $0xffff, v22  }
0x28c: {  	[tilespmem:s1+$0x1B960] =	vst.add.f32.msk $0xffff, v23  }
0x28d: {  	[tilespmem:s1+$0x1B970] =	vst.add.f32.msk $0xffff, v24  }
0x28e: {  	[tilespmem:s1+$0x1B980] =	vst.add.f32.msk $0xffff, v25  }
0x28f: {  	[tilespmem:s1+$0x1B990] =	vst.add.f32.msk $0xffff, v26  }
0x290: {  	[tilespmem:s1+$0x1B9A0] =	vst.add.f32.msk $0xffff, v27  }
0x291: {  	[tilespmem:s1+$0x1B9B0] =	vst.add.f32.msk $0xffff, v28  }
0x292: {  	[tilespmem:s1+$0x1B9C0] =	vst.add.f32.msk $0xffff, v29  }
0x293: {  	s11 =	smul.u32 $0x50, s15;
	s7 =	simm.s32 $0x0;
	s8 =	simm.s32 $0x800;
	[tilespmem:s1+$0x1B9D0] =	vst.add.f32.msk $0xffff, v30  }
.LBB2_11:
0x294: {  	s7 =	sadd.s32 $0x4, s7;
	[tilespmem:s1+$0x1B9E0] =	vst.add.f32.msk $0xffff, v0;
	s1 =	sshra.s32 s8, $0x2  }
0x295: {  	v0 =	vld [tilespmem:s1+$0xDDF0];
	p1 =	slt.u32 s7, $0x4C  }
0x296: {  	v1 =	vld [tilespmem:s1+$0xDC00]  }
0x297: {  	v2 =	vld [tilespmem:s1+$0xDC10]  }
0x298: {  	v3 =	vld [tilespmem:s1+$0xDC20]  }
0x299: {  	v4 =	vld [tilespmem:s1+$0xDC30]  }
0x29a: {  	[tilespmem:s1+$0x1B9F0] =	vst.add.f32.msk $0xffff, v0  }
0x29b: {  	v5 =	vld [tilespmem:s1+$0xDC40]  }
0x29c: {  	v6 =	vld [tilespmem:s1+$0xDC50]  }
0x29d: {  	v7 =	vld [tilespmem:s1+$0xDC60]  }
0x29e: {  	v8 =	vld [tilespmem:s1+$0xDC70]  }
0x29f: {  	v9 =	vld [tilespmem:s1+$0xDC80]  }
0x2a0: {  	v10 =	vld [tilespmem:s1+$0xDC90]  }
0x2a1: {  	v11 =	vld [tilespmem:s1+$0xDCA0]  }
0x2a2: {  	v12 =	vld [tilespmem:s1+$0xDCB0]  }
0x2a3: {  	v13 =	vld [tilespmem:s1+$0xDCC0]  }
0x2a4: {  	v14 =	vld [tilespmem:s1+$0xDCD0]  }
0x2a5: {  	v15 =	vld [tilespmem:s1+$0xDCE0]  }
0x2a6: {  	v16 =	vld [tilespmem:s1+$0xDCF0]  }
0x2a7: {  	v17 =	vld [tilespmem:s1+$0xDD00]  }
0x2a8: {  	v18 =	vld [tilespmem:s1+$0xDD10]  }
0x2a9: {  	v19 =	vld [tilespmem:s1+$0xDD20]  }
0x2aa: {  	v20 =	vld [tilespmem:s1+$0xDD30]  }
0x2ab: {  	v21 =	vld [tilespmem:s1+$0xDD40]  }
0x2ac: {  	v22 =	vld [tilespmem:s1+$0xDD50]  }
0x2ad: {  	v23 =	vld [tilespmem:s1+$0xDD60]  }
0x2ae: {  	v24 =	vld [tilespmem:s1+$0xDD70]  }
0x2af: {  	v25 =	vld [tilespmem:s1+$0xDD80]  }
0x2b0: {  	v26 =	vld [tilespmem:s1+$0xDD90]  }
0x2b1: {  	v27 =	vld [tilespmem:s1+$0xDDA0]  }
0x2b2: {  	v28 =	vld [tilespmem:s1+$0xDDB0]  }
0x2b3: {  	v29 =	vld [tilespmem:s1+$0xDDC0]  }
0x2b4: {  	v30 =	vld [tilespmem:s1+$0xDDD0]  }
0x2b5: {  	v0 =	vld [tilespmem:s1+$0xDDE0]  }
0x2b6: {  	[tilespmem:s1+$0x1B800] =	vst.add.f32.msk $0xffff, v1  }
0x2b7: {  	[tilespmem:s1+$0x1B810] =	vst.add.f32.msk $0xffff, v2  }
0x2b8: {  	[tilespmem:s1+$0x1B820] =	vst.add.f32.msk $0xffff, v3  }
0x2b9: {  	[tilespmem:s1+$0x1B830] =	vst.add.f32.msk $0xffff, v4  }
0x2ba: {  	[tilespmem:s1+$0x1B840] =	vst.add.f32.msk $0xffff, v5  }
0x2bb: {  	[tilespmem:s1+$0x1B850] =	vst.add.f32.msk $0xffff, v6  }
0x2bc: {  	[tilespmem:s1+$0x1B860] =	vst.add.f32.msk $0xffff, v7  }
0x2bd: {  	[tilespmem:s1+$0x1B870] =	vst.add.f32.msk $0xffff, v8  }
0x2be: {  	[tilespmem:s1+$0x1B880] =	vst.add.f32.msk $0xffff, v9  }
0x2bf: {  	[tilespmem:s1+$0x1B890] =	vst.add.f32.msk $0xffff, v10  }
0x2c0: {  	[tilespmem:s1+$0x1B8A0] =	vst.add.f32.msk $0xffff, v11  }
0x2c1: {  	[tilespmem:s1+$0x1B8B0] =	vst.add.f32.msk $0xffff, v12  }
0x2c2: {  	[tilespmem:s1+$0x1B8C0] =	vst.add.f32.msk $0xffff, v13  }
0x2c3: {  	[tilespmem:s1+$0x1B8D0] =	vst.add.f32.msk $0xffff, v14  }
0x2c4: {  	[tilespmem:s1+$0x1B8E0] =	vst.add.f32.msk $0xffff, v15  }
0x2c5: {  	[tilespmem:s1+$0x1B8F0] =	vst.add.f32.msk $0xffff, v16  }
0x2c6: {  	[tilespmem:s1+$0x1B900] =	vst.add.f32.msk $0xffff, v17  }
0x2c7: {  	[tilespmem:s1+$0x1B910] =	vst.add.f32.msk $0xffff, v18  }
0x2c8: {  	[tilespmem:s1+$0x1B920] =	vst.add.f32.msk $0xffff, v19  }
0x2c9: {  	[tilespmem:s1+$0x1B930] =	vst.add.f32.msk $0xffff, v20  }
0x2ca: {  	[tilespmem:s1+$0x1B940] =	vst.add.f32.msk $0xffff, v21  }
0x2cb: {  	[tilespmem:s1+$0x1B950] =	vst.add.f32.msk $0xffff, v22  }
0x2cc: {  	[tilespmem:s1+$0x1B960] =	vst.add.f32.msk $0xffff, v23  }
0x2cd: {  	[tilespmem:s1+$0x1B970] =	vst.add.f32.msk $0xffff, v24  }
0x2ce: {  	[tilespmem:s1+$0x1B980] =	vst.add.f32.msk $0xffff, v25  }
.Ltmp6:
0x2cf: {  	[tilespmem:s1+$0x1B990] =	vst.add.f32.msk $0xffff, v26;
	(pc) =	sbr.rel @p1 .LBB2_11-.Ltmp6, $4  }
0x2d0: {  	[tilespmem:s1+$0x1B9A0] =	vst.add.f32.msk $0xffff, v27  }
0x2d1: {  	[tilespmem:s1+$0x1B9B0] =	vst.add.f32.msk $0xffff, v28  }
0x2d2: {  	[tilespmem:s1+$0x1B9C0] =	vst.add.f32.msk $0xffff, v29  }
0x2d3: {  	s8 =	sadd.s32 $0x800, s8;
	[tilespmem:s1+$0x1B9D0] =	vst.add.f32.msk $0xffff, v30  }
0x2d4: {  	s7 =	sadd.s32 s6, s11  }
0x2d5: {  	s7 =	sshll.u32 s7, $0x4  }
.Ltmp7:
0x2d6: {  	[tilespmem:s1+$0x1B9E0] =	vst.add.f32.msk $0xffff, v0;
	s17 =	sadd.s32 s4, s7;
	(pc) =	sbr.rel @p0 .LBB2_14-.Ltmp7, $4  }
0x2d7: {  	[hbm4b:s17+s5] =	stream.linear.scatter [tilespmem:s22], [sflag:$0xA], $0x2800, $0x38;
	[tilespmem:$0x1E000] =	vst v63  }
0x2d8: {  	_ =	swait.ge [sflag:s29], $0x2800  }
0x2d9: {  	[sflag:s29] =	ssyncset.done $0x0  }
0x2da: {  	[sflag:s29] =	ssyncadd.s32 $0xFFFFD800  }
0x2db: {  	s1 =	smul.u32 $0xA00, s0  }
.Ltmp8:
0x2dc: {  	_ = 	snop;
	(pc) =	sbr.rel .LBB2_2-.Ltmp8, $4  }
0x2dd: {  	_ = 	snop  }
0x2de: {  	s1 =	sshra.s32 s1, $0x2  }
0x2df: {  	s0 =	sadd.s32 $0x1, s0;
	s1 =	sadd.s32 $0x380, s1  }
0x2e0: {  	[tilespmem:s18], [sflag:$0x3] =	stream.indirect.gather [hbm4b:s3+s13], $0x80, s1, s13, $0xb8;
	[tilespmem:$0x1E000] =	vst v63  }
.LBB2_15:
0x2e1: {  	_ =	sfence.sel $0x180000  }
0x2e2: {  	[bflag:$0x0] =	sbarrier.arrive $0xFFFF  }
0x2e3: {  	_ =	strace $0x90000047  }
0x2e4: {  	s0 =	stileid.u32;
	[bflag:$0x2] =	sbarrier.arrive $0xFFFF  }
0x2e5: {  	p0 =	sne.s32 s0, $0x0;
	s0 =	rddreg [dreg:$0x3]  }
0x2e6: {  	s0 =	sadd.s32 @!p0 $0x100000, s0  }
0x2e7: {  	[sflag:s0] =	ssyncadd.tile.s32 @!p0 $0x1;
	_ =	shalt  }
.Lfunc_end2:
_tile_overlayer_lowered:
.L_overlay_start_2:
0x2e8: {  	(tag) =	ssettag $0x2  }
0x2e9: {  	s0 =	rddreg [dreg:$0x0];
	s2 =	stileid.u32  }
0x2ea: {  	s1 =	rddreg [dreg:$0x1];
	p0 =	sne.s32 s2, $0x0  }
0x2eb: {  	s3 =	rddreg [dreg:$0x2];
	[bflag:$0x3] =	sbarrier.arrive $0xFFFF;
	s2 =	simm.s32 @!p0 $0x1C0B  }
0x2ec: {  	[timem:s3], [sflag:s2] =	dma.local @!p0 [hbm:s0], s1  }
0x2ed: {  	s0 =	simm.s32 @!p0 $0xB  }
0x2ee: {  	_ =	swait.ge @!p0 [sflag:s0], s1  }
0x2ef: {  	s1 =	ssub.s32 @!p0 $0x0, s1;
	[sflag:s0] =	ssyncset.done @!p0 $0x0  }
0x2f0: {  	[sflag:s0] =	ssyncadd.s32 @!p0 s1  }
0x2f1: {  	[bflag:$0x3] =	sbarrier.arrive $0xFFFF  }
0x2f2: {  	_ =	shalt  }

</sc_bundles>
